<compile_context>
chip_gen: v7x
topology: tpu7x:2x2x1
jax: 0.10.2.dev20260603
libtpu: 0.0.44.dev20260713+nightly
codegen_flags: <defaults>
</compile_context>

<pallas_src>
import functools

import jax
import jax.numpy as jnp
from jax import lax
from jax.experimental import pallas as pl
from jax.experimental.pallas import tpu as pltpu
from jax.experimental.pallas import tpu_sc as plsc

N_NODES = 10000
E = 320000
D = 128
EPS = 1e-5

NUM_CORES = 2
NUM_SUBCORES = 16

EDGES_PER_TILE = E // NUM_SUBCORES
CHUNK = 128
FULL_CHUNKS = EDGES_PER_TILE // CHUNK
TAIL = EDGES_PER_TILE - FULL_CHUNKS * CHUNK
ROW_STRIDE = 624
ROW_WIN = 640

def _sc_segment_sums(win_feat, win_dst, loss_feat, loss_dst):
    zeros_h = jnp.zeros((N_NODES, D), dtype=jnp.float32)

    mesh = plsc.VectorSubcoreMesh(
        core_axis_name="c", subcore_axis_name="s",
        num_cores=NUM_CORES, num_subcores=NUM_SUBCORES)

    @functools.partial(
        pl.kernel,
        out_type=[
            jax.ShapeDtypeStruct((N_NODES, D), jnp.float32),
            jax.ShapeDtypeStruct((N_NODES, D), jnp.float32),
            jax.ShapeDtypeStruct((N_NODES,), jnp.float32),
            jax.ShapeDtypeStruct((N_NODES,), jnp.float32),
        ],
        mesh=mesh,
        scratch_types=[
            pltpu.VMEM_SHARED((N_NODES, D), jnp.float32),
            pltpu.VMEM_SHARED((N_NODES,), jnp.float32),
            [pltpu.VMEM((CHUNK,), jnp.int32)] * 3,
            [pltpu.VMEM((CHUNK, D), jnp.float32)] * 3,
            pltpu.VMEM((TAIL,), jnp.int32),
            pltpu.VMEM((ROW_WIN,), jnp.float32),
            pltpu.VMEM((CHUNK,), jnp.float32),
            [pltpu.SemaphoreType.DMA] * 3,
            [pltpu.SemaphoreType.DMA] * 3,
            [pltpu.SemaphoreType.DMA] * 3,
            [pltpu.SemaphoreType.DMA] * 3,
        ],
    )
    def sc_kernel(wf_hbm, wd_hbm, lf_hbm, ld_hbm, z_hbm,
                  sum_w_hbm, sum_l_hbm, deg_w_hbm, deg_l_hbm,
                  acc, deg, idxb, featb, idxT,
                  dstage_v, ones_v, s_i, s_f, s_sf, s_sd):
        c = lax.axis_index("c")
        s = lax.axis_index("s")
        row0 = s * ROW_STRIDE
        base_t = s * EDGES_PER_TILE

        def _fill(i, val, ref):
            ref[pl.ds(i * 16, 16)] = jnp.full((16,), val, jnp.float32)
            return val

        lax.fori_loop(0, ROW_WIN // 16,
                      lambda i, v: _fill(i, v, dstage_v), 0.0)
        lax.fori_loop(0, CHUNK // 16,
                      lambda i, v: _fill(i, v, ones_v), 1.0)

        NBUF = 3

        def issue_from(feat_hbm, dst_hbm, i, b):
            base = base_t + i * CHUNK
            pltpu.async_copy(dst_hbm.at[pl.ds(base, CHUNK)], idxb[b], s_i[b])
            pltpu.async_copy(feat_hbm.at[pl.ds(base, CHUNK), :], featb[b], s_f[b])

        pl.when(c == 0)(lambda: issue_from(wf_hbm, wd_hbm, 0, 0))
        pl.when(c == 0)(lambda: issue_from(wf_hbm, wd_hbm, 1, 1))
        pl.when(c == 1)(lambda: issue_from(lf_hbm, ld_hbm, 0, 0))
        pl.when(c == 1)(lambda: issue_from(lf_hbm, ld_hbm, 1, 1))

        pltpu.sync_copy(z_hbm.at[pl.ds(row0, CHUNK), :], featb[2])
        for j in range(ROW_WIN // CHUNK):
            r = row0 + j * CHUNK
            pltpu.sync_copy(featb[2], acc.at[pl.ds(r, CHUNK), :])
        pltpu.sync_copy(dstage_v, deg.at[pl.ds(row0, ROW_WIN)])
        plsc.subcore_barrier()

        def scatter(feat_hbm, dst_hbm):
            def issue(i, b):
                issue_from(feat_hbm, dst_hbm, i, b)

            def wait(i, b):
                base = base_t + i * CHUNK
                pltpu.make_async_copy(
                    dst_hbm.at[pl.ds(base, CHUNK)], idxb[b], s_i[b]).wait()
                pltpu.make_async_copy(
                    feat_hbm.at[pl.ds(base, CHUNK), :], featb[b], s_f[b]).wait()

            def scat_issue(b):
                pltpu.async_copy(featb[b], acc.at[idxb[b]], s_sf[b], add=True)
                pltpu.async_copy(ones_v, deg.at[idxb[b]], s_sd[b], add=True)

            def scat_wait(b):
                pltpu.make_async_copy(featb[b], acc.at[idxb[b]], s_sf[b]).wait()
                pltpu.make_async_copy(ones_v, deg.at[idxb[b]], s_sd[b]).wait()

            wait(0, 0)
            scat_issue(0)
            issue(2, 2)
            wait(1, 1)
            scat_issue(1)
            scat_wait(0)
            issue(3, 0)
            wait(2, 2)
            scat_issue(2)
            scat_wait(1)
            issue(4, 1)

            def body(k, carry):
                for jj in range(NBUF):
                    q = NBUF * k + jj
                    wait(q, jj)
                    scat_issue(jj)
                    b2 = (jj + NBUF - 1) % NBUF
                    nq = q + NBUF - 1

                    def refill(b2=b2, nq=nq):
                        scat_wait(b2)
                        issue(nq, b2)

                    pl.when(nq < FULL_CHUNKS)(refill)
                return carry

            lax.fori_loop(1, FULL_CHUNKS // NBUF, body, 0)
            for b in range(NBUF):
                scat_wait(b)

            tbase = base_t + FULL_CHUNKS * CHUNK
            pltpu.sync_copy(dst_hbm.at[pl.ds(tbase, TAIL)], idxT)
            pltpu.sync_copy(feat_hbm.at[pl.ds(tbase, TAIL), :],
                            featb[0].at[pl.ds(0, TAIL), :])
            pltpu.sync_copy(featb[0].at[pl.ds(0, TAIL), :],
                            acc.at[idxT], add=True)
            pltpu.sync_copy(ones_v.at[pl.ds(0, TAIL)], deg.at[idxT], add=True)

        pl.when(c == 0)(lambda: scatter(wf_hbm, wd_hbm))
        pl.when(c == 1)(lambda: scatter(lf_hbm, ld_hbm))
        plsc.subcore_barrier()

        NWB = ROW_WIN // CHUNK

        def writeback(sum_out, deg_out):
            def rd(j, b):
                pltpu.async_copy(
                    acc.at[pl.ds(row0 + j * CHUNK, CHUNK), :], featb[b], s_f[b])

            def rdw(j, b):
                pltpu.make_async_copy(
                    acc.at[pl.ds(row0 + j * CHUNK, CHUNK), :], featb[b],
                    s_f[b]).wait()

            def wr(j, b):
                pltpu.async_copy(
                    featb[b], sum_out.at[pl.ds(row0 + j * CHUNK, CHUNK), :],
                    s_sf[b])

            def wrw(j, b):
                pltpu.make_async_copy(
                    featb[b], sum_out.at[pl.ds(row0 + j * CHUNK, CHUNK), :],
                    s_sf[b]).wait()

            rd(0, 0)
            for j in range(NWB):
                b = j % 2
                rdw(j, b)
                if j + 1 < NWB:
                    if j >= 1:
                        wrw(j - 1, (j + 1) % 2)
                    rd(j + 1, (j + 1) % 2)
                wr(j, b)
            pltpu.sync_copy(deg.at[pl.ds(row0, ROW_WIN)], dstage_v)
            pltpu.sync_copy(dstage_v, deg_out.at[pl.ds(row0, ROW_WIN)])
            wrw(NWB - 2, (NWB - 2) % 2)
            wrw(NWB - 1, (NWB - 1) % 2)

        pl.when(c == 0)(lambda: writeback(sum_w_hbm, deg_w_hbm))
        pl.when(c == 1)(lambda: writeback(sum_l_hbm, deg_l_hbm))

    return sc_kernel(win_feat, win_dst, loss_feat, loss_dst, zeros_h)


BN_ROWS = 5000


def _readout_body(sw_ref, sl_ref, dw_ref, dl_ref,
                  g_ref, bt_ref, rm_ref, rv_ref, w_ref, b_ref, o_ref):
    dw = dw_ref[...]
    dl = dl_ref[...]
    mw = sw_ref[...] / jnp.maximum(dw, 1.0)
    ml = sl_ref[...] / jnp.maximum(dl, 1.0)
    hw = (dw > 0.0).astype(jnp.float32)
    hl = (dl > 0.0).astype(jnp.float32)
    cnt = jnp.maximum(hw + hl, 1.0)
    h = (mw * hw + ml * hl) / cnt
    hb = (h - rm_ref[...]) * lax.rsqrt(rv_ref[...] + EPS) * g_ref[...] + bt_ref[...]
    y = jnp.dot(hb, w_ref[...], preferred_element_type=jnp.float32) + b_ref[...]
    o_ref[...] = jnp.maximum(y, 0.0)


def _readout(sum_w, deg_w, sum_l, deg_l, r_gamma, r_beta, r_rm, r_rv, W3, b3):
    grid = (N_NODES // BN_ROWS,)
    row_spec = pl.BlockSpec((BN_ROWS, D), lambda i: (i, 0))
    deg_spec = pl.BlockSpec((BN_ROWS, 1), lambda i: (i, 0))
    vec_spec = pl.BlockSpec((1, D), lambda i: (0, 0))
    mat_spec = pl.BlockSpec((D, D), lambda i: (0, 0))
    return pl.pallas_call(
        _readout_body,
        grid=grid,
        in_specs=[row_spec, row_spec, deg_spec, deg_spec,
                  vec_spec, vec_spec, vec_spec, vec_spec, mat_spec, vec_spec],
        out_specs=row_spec,
        out_shape=jax.ShapeDtypeStruct((N_NODES, D), jnp.float32),
    )(sum_w, sum_l, deg_w.reshape(N_NODES, 1), deg_l.reshape(N_NODES, 1),
      r_gamma.reshape(1, D), r_beta.reshape(1, D),
      r_rm.reshape(1, D), r_rv.reshape(1, D), W3, b3.reshape(1, D))


def kernel(win_feat, loss_feat, win_dst, loss_dst,
           r_gamma, r_beta, r_rm, r_rv, W3, b3):
    sum_w, sum_l, deg_w, deg_l = _sc_segment_sums(
        win_feat, win_dst, loss_feat, loss_dst)
    return _readout(sum_w, deg_w, sum_l, deg_l,
                    r_gamma, r_beta, r_rm, r_rv, W3, b3)

# --- scband reference (transcript-rebuilt; emitter-appended) ---
"""Pipeline reference for scband-hetero-nnencoder-12008728559826 (READ-ONLY COPY).

The authoritative reference and input builder live on the scoring server;
editing this copy changes nothing except your own understanding.
"""

import jax, jax.numpy as jnp
import numpy as np

N_NODES = 10000
E = 320000
D = 128
EPS = 1e-5


def setup_inputs(seed: int = 0) -> dict:
    key = jax.random.key(seed)
    ks = jax.random.split(key, 8)
    inp = {}
    inp["win_feat"] = jax.random.normal(ks[0], (E, D), dtype=jnp.float32)
    inp["loss_feat"] = jax.random.normal(ks[1], (E, D), dtype=jnp.float32)
    inp["win_dst"] = jax.random.randint(ks[2], (E,), 0, N_NODES, dtype=jnp.int32)
    inp["loss_dst"] = jax.random.randint(ks[3], (E,), 0, N_NODES, dtype=jnp.int32)
    # readout = Sequential(BatchNorm1d(D), Linear(D, D), ReLU, Dropout) -- eval mode
    inp["r_gamma"] = 1.0 + 0.1 * jax.random.normal(ks[4], (D,), dtype=jnp.float32)
    inp["r_beta"] = 0.1 * jax.random.normal(ks[5], (D,), dtype=jnp.float32)
    inp["r_rm"] = jnp.zeros((D,), dtype=jnp.float32)
    inp["r_rv"] = jnp.ones((D,), dtype=jnp.float32)
    inp["W3"] = jax.random.normal(ks[6], (D, D), dtype=jnp.float32) / np.sqrt(D)
    inp["b3"] = 0.01 * jax.random.normal(ks[7], (D,), dtype=jnp.float32)
    return inp


def _bn_eval(x, gamma, beta, rm, rv):
    return (x - rm) * jax.lax.rsqrt(rv + EPS) * gamma + beta


def reference(win_feat, loss_feat, win_dst, loss_dst, r_gamma, r_beta, r_rm, r_rv, W3, b3):
    # init=False: edge data 'h' = edge data 'f' (no edge MLP)
    hw = win_feat
    hl = loss_feat
    # multi_update_all: copy_e + mean reduce per edge type
    sum_w = jax.ops.segment_sum(hw, win_dst, num_segments=N_NODES)
    deg_w = jax.ops.segment_sum(jnp.ones((hw.shape[0],), dtype=hw.dtype), win_dst, num_segments=N_NODES)
    sum_l = jax.ops.segment_sum(hl, loss_dst, num_segments=N_NODES)
    deg_l = jax.ops.segment_sum(jnp.ones((hl.shape[0],), dtype=hl.dtype), loss_dst, num_segments=N_NODES)
    mean_w = sum_w / jnp.maximum(deg_w, 1.0)[:, None]
    mean_l = sum_l / jnp.maximum(deg_l, 1.0)[:, None]
    # cross-type 'mean' reducer: average only over edge types that delivered messages
    has_w = (deg_w > 0).astype(hw.dtype)
    has_l = (deg_l > 0).astype(hl.dtype)
    cnt = jnp.maximum(has_w + has_l, 1.0)
    h = (mean_w * has_w[:, None] + mean_l * has_l[:, None]) / cnt[:, None]
    # readout (eval mode: dropout is identity)
    out = jax.nn.relu(_bn_eval(h, r_gamma, r_beta, r_rm, r_rv) @ W3 + b3)
    return out

if __name__ == "__main__":
    import jax
    _d = setup_inputs()
    print(jax.jit(kernel)(*tuple(_d.values())))

</pallas_src>

<mosaic_0001>
#map = affine_map<(d0, d1) -> (0, 0)>
#map1 = affine_map<(d0, d1) -> (0)>
module attributes {stable_mosaic.version = 14 : i64} {
  func.func @sc_kernel(%arg0: i32, %arg1: i32, %arg2: memref<320000x128xf32, #tpu.memory_space<hbm>>, %arg3: memref<320000xi32, #tpu.memory_space<hbm>>, %arg4: memref<320000x128xf32, #tpu.memory_space<hbm>>, %arg5: memref<320000xi32, #tpu.memory_space<hbm>>, %arg6: memref<10000x128xf32, #tpu.memory_space<hbm>>, %arg7: memref<10000x128xf32, #tpu.memory_space<hbm>>, %arg8: memref<10000x128xf32, #tpu.memory_space<hbm>>, %arg9: memref<10000xf32, #tpu.memory_space<hbm>>, %arg10: memref<10000xf32, #tpu.memory_space<hbm>>, %arg11: memref<10000x128xf32, #tpu.memory_space<vmem_shared>>, %arg12: memref<10000xf32, #tpu.memory_space<vmem_shared>>, %arg13: memref<128xi32, #tpu.memory_space<vmem>>, %arg14: memref<128xi32, #tpu.memory_space<vmem>>, %arg15: memref<128xi32, #tpu.memory_space<vmem>>, %arg16: memref<128x128xf32, #tpu.memory_space<vmem>>, %arg17: memref<128x128xf32, #tpu.memory_space<vmem>>, %arg18: memref<128x128xf32, #tpu.memory_space<vmem>>, %arg19: memref<32xi32, #tpu.memory_space<vmem>>, %arg20: memref<640xf32, #tpu.memory_space<vmem>>, %arg21: memref<128xf32, #tpu.memory_space<vmem>>, %arg22: memref<!tpu.dma_semaphore, #tpu.memory_space<semaphore_mem>>, %arg23: memref<!tpu.dma_semaphore, #tpu.memory_space<semaphore_mem>>, %arg24: memref<!tpu.dma_semaphore, #tpu.memory_space<semaphore_mem>>, %arg25: memref<!tpu.dma_semaphore, #tpu.memory_space<semaphore_mem>>, %arg26: memref<!tpu.dma_semaphore, #tpu.memory_space<semaphore_mem>>, %arg27: memref<!tpu.dma_semaphore, #tpu.memory_space<semaphore_mem>>, %arg28: memref<!tpu.dma_semaphore, #tpu.memory_space<semaphore_mem>>, %arg29: memref<!tpu.dma_semaphore, #tpu.memory_space<semaphore_mem>>, %arg30: memref<!tpu.dma_semaphore, #tpu.memory_space<semaphore_mem>>, %arg31: memref<!tpu.dma_semaphore, #tpu.memory_space<semaphore_mem>>, %arg32: memref<!tpu.dma_semaphore, #tpu.memory_space<semaphore_mem>>, %arg33: memref<!tpu.dma_semaphore, #tpu.memory_space<semaphore_mem>>) attributes {dimension_semantics = [#tpu.dimension_semantics<core_parallel>, #tpu.dimension_semantics<subcore_parallel>], iteration_bounds = array<i64: 2, 16>, scalar_prefetch = 0 : i64, scratch_operands = 23 : i64, tpu.core_type = #tpu.core_type<sc_vector_subcore>, window_params = [{transform_indices = #map}, {transform_indices = #map1}, {transform_indices = #map}, {transform_indices = #map1}, {transform_indices = #map}, {transform_indices = #map}, {transform_indices = #map}, {transform_indices = #map1}, {transform_indices = #map1}]} {
    %mul3A = arith.constant 624 : i32
    %mul3A_0 = arith.muli %arg1, %mul3A : i32
    %mul3A_1 = arith.constant 20000 : i32
    %mul3A_2 = arith.muli %arg1, %mul3A_1 : i32
    %scan3A = arith.constant 0.000000e+00 : f32
    %scan3A_3 = arith.constant 0 : i32
    %scan3A_4 = arith.constant 40 : i32
    %scan3A_5 = arith.addi %scan3A_3, %scan3A_4 : i32
    %scan3A_6 = arith.constant 1 : i32
    scf.for %scan3A_61 = %scan3A_3 to %scan3A_5 step %scan3A_6  : i32 {
      %broadcast_in_dim3A = vector.broadcast %scan3A : f32 to vector<16xf32>
      %mul3A_62 = arith.constant 16 : i32
      %mul3A_63 = arith.muli %scan3A_61, %mul3A_62 : i32
      %swap3A = arith.index_cast %mul3A_63 : i32 to index
      %swap3A_64 = tpu.vector_load %arg20[%swap3A] {strides = array<i32>} : memref<640xf32, #tpu.memory_space<vmem>>, vector<16xf32>,
      %swap3A_65 = vector.shape_cast %swap3A_64 : vector<16xf32> to vector<16xf32>
      %swap3A_66 = vector.shape_cast %broadcast_in_dim3A : vector<16xf32> to vector<16xf32>
      tpu.vector_store %arg20[%swap3A], %swap3A_66 {strides = array<i32>} : memref<640xf32, #tpu.memory_space<vmem>>, vector<16xf32>,
    }
    %scan3A_7 = arith.constant 40 : i32
    %scan3A_8 = arith.constant 1.000000e+00 : f32
    %scan3A_9 = arith.constant 0 : i32
    %scan3A_10 = arith.constant 8 : i32
    %scan3A_11 = arith.addi %scan3A_9, %scan3A_10 : i32
    %scan3A_12 = arith.constant 1 : i32
    scf.for %scan3A_61 = %scan3A_9 to %scan3A_11 step %scan3A_12  : i32 {
      %broadcast_in_dim3A = vector.broadcast %scan3A_8 : f32 to vector<16xf32>
      %mul3A_62 = arith.constant 16 : i32
      %mul3A_63 = arith.muli %scan3A_61, %mul3A_62 : i32
      %swap3A = arith.index_cast %mul3A_63 : i32 to index
      %swap3A_64 = tpu.vector_load %arg21[%swap3A] {strides = array<i32>} : memref<128xf32, #tpu.memory_space<vmem>>, vector<16xf32>,
      %swap3A_65 = vector.shape_cast %swap3A_64 : vector<16xf32> to vector<16xf32>
      %swap3A_66 = vector.shape_cast %broadcast_in_dim3A : vector<16xf32> to vector<16xf32>
      tpu.vector_store %arg21[%swap3A], %swap3A_66 {strides = array<i32>} : memref<128xf32, #tpu.memory_space<vmem>>, vector<16xf32>,
    }
    %scan3A_13 = arith.constant 8 : i32
    %eq3A = arith.constant 0 : i32
    %eq3A_14 = arith.cmpi eq, %arg0, %eq3A : i32
    %convert_element_type3A = arith.extui %eq3A_14 : i1 to i32
    %cond3A = arith.constant 0 : i32
    %cond3A_15 = arith.cmpi ne, %convert_element_type3A, %cond3A : i32
    scf.if %cond3A_15 {
      %add3A_61 = arith.constant 0 : i32
      %add3A_62 = arith.addi %mul3A_2, %add3A_61 : i32
      %dma_start3A = tpu.memref_slice %arg3[%add3A_62] : memref<320000xi32, #tpu.memory_space<hbm>> -> memref<128xi32, #tpu.memory_space<hbm>>
      %dma_start3A_63 = tpu.memref_slice %arg3[%add3A_62] : memref<320000xi32, #tpu.memory_space<hbm>> -> memref<128xi32, #tpu.memory_space<hbm>>
      tpu.enqueue_dma source(%dma_start3A_63 : memref<128xi32, #tpu.memory_space<hbm>>) target(%arg13 : memref<128xi32, #tpu.memory_space<vmem>>) target_semaphore(%arg22 : memref<!tpu.dma_semaphore, #tpu.memory_space<semaphore_mem>>)
      %dma_start3A_64 = arith.constant 0 : i32
      %dma_start3A_65 = tpu.memref_slice %arg2[%add3A_62, %dma_start3A_64] : memref<320000x128xf32, #tpu.memory_space<hbm>> -> memref<128x128xf32, #tpu.memory_space<hbm>>
      %dma_start3A_66 = arith.constant 0 : i32
      %dma_start3A_67 = tpu.memref_slice %arg2[%add3A_62, %dma_start3A_66] : memref<320000x128xf32, #tpu.memory_space<hbm>> -> memref<128x128xf32, #tpu.memory_space<hbm>>
      tpu.enqueue_dma source(%dma_start3A_67 : memref<128x128xf32, #tpu.memory_space<hbm>>) target(%arg16 : memref<128x128xf32, #tpu.memory_space<vmem>>) target_semaphore(%arg25 : memref<!tpu.dma_semaphore, #tpu.memory_space<semaphore_mem>>)
    } else {
    }
    %eq3A_16 = arith.constant 0 : i32
    %eq3A_17 = arith.cmpi eq, %arg0, %eq3A_16 : i32
    %convert_element_type3A_18 = arith.extui %eq3A_17 : i1 to i32
    %cond3A_19 = arith.constant 0 : i32
    %cond3A_20 = arith.cmpi ne, %convert_element_type3A_18, %cond3A_19 : i32
    scf.if %cond3A_20 {
      %add3A_61 = arith.constant 128 : i32
      %add3A_62 = arith.addi %mul3A_2, %add3A_61 : i32
      %dma_start3A = tpu.memref_slice %arg3[%add3A_62] : memref<320000xi32, #tpu.memory_space<hbm>> -> memref<128xi32, #tpu.memory_space<hbm>>
      %dma_start3A_63 = tpu.memref_slice %arg3[%add3A_62] : memref<320000xi32, #tpu.memory_space<hbm>> -> memref<128xi32, #tpu.memory_space<hbm>>
      tpu.enqueue_dma source(%dma_start3A_63 : memref<128xi32, #tpu.memory_space<hbm>>) target(%arg14 : memref<128xi32, #tpu.memory_space<vmem>>) target_semaphore(%arg23 : memref<!tpu.dma_semaphore, #tpu.memory_space<semaphore_mem>>)
      %dma_start3A_64 = arith.constant 0 : i32
      %dma_start3A_65 = tpu.memref_slice %arg2[%add3A_62, %dma_start3A_64] : memref<320000x128xf32, #tpu.memory_space<hbm>> -> memref<128x128xf32, #tpu.memory_space<hbm>>
      %dma_start3A_66 = arith.constant 0 : i32
      %dma_start3A_67 = tpu.memref_slice %arg2[%add3A_62, %dma_start3A_66] : memref<320000x128xf32, #tpu.memory_space<hbm>> -> memref<128x128xf32, #tpu.memory_space<hbm>>
      tpu.enqueue_dma source(%dma_start3A_67 : memref<128x128xf32, #tpu.memory_space<hbm>>) target(%arg17 : memref<128x128xf32, #tpu.memory_space<vmem>>) target_semaphore(%arg26 : memref<!tpu.dma_semaphore, #tpu.memory_space<semaphore_mem>>)
    } else {
    }
    %eq3A_21 = arith.constant 1 : i32
    %eq3A_22 = arith.cmpi eq, %arg0, %eq3A_21 : i32
    %convert_element_type3A_23 = arith.extui %eq3A_22 : i1 to i32
    %cond3A_24 = arith.constant 0 : i32
    %cond3A_25 = arith.cmpi ne, %convert_element_type3A_23, %cond3A_24 : i32
    scf.if %cond3A_25 {
      %add3A_61 = arith.constant 0 : i32
      %add3A_62 = arith.addi %mul3A_2, %add3A_61 : i32
      %dma_start3A = tpu.memref_slice %arg5[%add3A_62] : memref<320000xi32, #tpu.memory_space<hbm>> -> memref<128xi32, #tpu.memory_space<hbm>>
      %dma_start3A_63 = tpu.memref_slice %arg5[%add3A_62] : memref<320000xi32, #tpu.memory_space<hbm>> -> memref<128xi32, #tpu.memory_space<hbm>>
      tpu.enqueue_dma source(%dma_start3A_63 : memref<128xi32, #tpu.memory_space<hbm>>) target(%arg13 : memref<128xi32, #tpu.memory_space<vmem>>) target_semaphore(%arg22 : memref<!tpu.dma_semaphore, #tpu.memory_space<semaphore_mem>>)
      %dma_start3A_64 = arith.constant 0 : i32
      %dma_start3A_65 = tpu.memref_slice %arg4[%add3A_62, %dma_start3A_64] : memref<320000x128xf32, #tpu.memory_space<hbm>> -> memref<128x128xf32, #tpu.memory_space<hbm>>
      %dma_start3A_66 = arith.constant 0 : i32
      %dma_start3A_67 = tpu.memref_slice %arg4[%add3A_62, %dma_start3A_66] : memref<320000x128xf32, #tpu.memory_space<hbm>> -> memref<128x128xf32, #tpu.memory_space<hbm>>
      tpu.enqueue_dma source(%dma_start3A_67 : memref<128x128xf32, #tpu.memory_space<hbm>>) target(%arg16 : memref<128x128xf32, #tpu.memory_space<vmem>>) target_semaphore(%arg25 : memref<!tpu.dma_semaphore, #tpu.memory_space<semaphore_mem>>)
    } else {
    }
    %eq3A_26 = arith.constant 1 : i32
    %eq3A_27 = arith.cmpi eq, %arg0, %eq3A_26 : i32
    %convert_element_type3A_28 = arith.extui %eq3A_27 : i1 to i32
    %cond3A_29 = arith.constant 0 : i32
    %cond3A_30 = arith.cmpi ne, %convert_element_type3A_28, %cond3A_29 : i32
    scf.if %cond3A_30 {
      %add3A_61 = arith.constant 128 : i32
      %add3A_62 = arith.addi %mul3A_2, %add3A_61 : i32
      %dma_start3A = tpu.memref_slice %arg5[%add3A_62] : memref<320000xi32, #tpu.memory_space<hbm>> -> memref<128xi32, #tpu.memory_space<hbm>>
      %dma_start3A_63 = tpu.memref_slice %arg5[%add3A_62] : memref<320000xi32, #tpu.memory_space<hbm>> -> memref<128xi32, #tpu.memory_space<hbm>>
      tpu.enqueue_dma source(%dma_start3A_63 : memref<128xi32, #tpu.memory_space<hbm>>) target(%arg14 : memref<128xi32, #tpu.memory_space<vmem>>) target_semaphore(%arg23 : memref<!tpu.dma_semaphore, #tpu.memory_space<semaphore_mem>>)
      %dma_start3A_64 = arith.constant 0 : i32
      %dma_start3A_65 = tpu.memref_slice %arg4[%add3A_62, %dma_start3A_64] : memref<320000x128xf32, #tpu.memory_space<hbm>> -> memref<128x128xf32, #tpu.memory_space<hbm>>
      %dma_start3A_66 = arith.constant 0 : i32
      %dma_start3A_67 = tpu.memref_slice %arg4[%add3A_62, %dma_start3A_66] : memref<320000x128xf32, #tpu.memory_space<hbm>> -> memref<128x128xf32, #tpu.memory_space<hbm>>
      tpu.enqueue_dma source(%dma_start3A_67 : memref<128x128xf32, #tpu.memory_space<hbm>>) target(%arg17 : memref<128x128xf32, #tpu.memory_space<vmem>>) target_semaphore(%arg26 : memref<!tpu.dma_semaphore, #tpu.memory_space<semaphore_mem>>)
    } else {
    }
    "tpu.region"() ({
      %run_scoped3A = tpu.sem_alloc : memref<!tpu.dma_semaphore, #tpu.memory_space<semaphore_mem>>
      %dma_start3A = arith.constant 0 : i32
      %dma_start3A_61 = tpu.memref_slice %arg6[%mul3A_0, %dma_start3A] : memref<10000x128xf32, #tpu.memory_space<hbm>> -> memref<128x128xf32, #tpu.memory_space<hbm>>
      %dma_start3A_62 = arith.constant 0 : i32
      %dma_start3A_63 = tpu.memref_slice %arg6[%mul3A_0, %dma_start3A_62] : memref<10000x128xf32, #tpu.memory_space<hbm>> -> memref<128x128xf32, #tpu.memory_space<hbm>>
      tpu.enqueue_dma source(%dma_start3A_63 : memref<128x128xf32, #tpu.memory_space<hbm>>) target(%arg18 : memref<128x128xf32, #tpu.memory_space<vmem>>) target_semaphore(%run_scoped3A : memref<!tpu.dma_semaphore, #tpu.memory_space<semaphore_mem>>)
      %dma_wait3A = arith.constant 0 : i32
      %dma_wait3A_64 = tpu.memref_slice %arg6[%mul3A_0, %dma_wait3A] : memref<10000x128xf32, #tpu.memory_space<hbm>> -> memref<128x128xf32, #tpu.memory_space<hbm>>
      %dma_wait3A_65 = arith.constant 0 : i32
      %dma_wait3A_66 = tpu.memref_slice %arg6[%mul3A_0, %dma_wait3A_65] : memref<10000x128xf32, #tpu.memory_space<hbm>> -> memref<128x128xf32, #tpu.memory_space<hbm>>
      tpu.wait_dma2 semaphore(%run_scoped3A : memref<!tpu.dma_semaphore, #tpu.memory_space<semaphore_mem>>) src(%dma_wait3A_66 : memref<128x128xf32, #tpu.memory_space<hbm>>) dst(%arg18 : memref<128x128xf32, #tpu.memory_space<vmem>>)
      tpu.yield
    }) : () -> ()
    %add3A = arith.constant 0 : i32
    %add3A_31 = arith.addi %mul3A_0, %add3A : i32
    "tpu.region"() ({
      %run_scoped3A = tpu.sem_alloc : memref<!tpu.dma_semaphore, #tpu.memory_space<semaphore_mem>>
      %dma_start3A = arith.constant 0 : i32
      %dma_start3A_61 = tpu.memref_slice %arg11[%add3A_31, %dma_start3A] : memref<10000x128xf32, #tpu.memory_space<vmem_shared>> -> memref<128x128xf32, #tpu.memory_space<vmem_shared>>
      %dma_start3A_62 = arith.constant 0 : i32
      %dma_start3A_63 = tpu.memref_slice %arg11[%add3A_31, %dma_start3A_62] : memref<10000x128xf32, #tpu.memory_space<vmem_shared>> -> memref<128x128xf32, #tpu.memory_space<vmem_shared>>
      tpu.enqueue_dma source(%arg18 : memref<128x128xf32, #tpu.memory_space<vmem>>) target(%dma_start3A_63 : memref<128x128xf32, #tpu.memory_space<vmem_shared>>) target_semaphore(%run_scoped3A : memref<!tpu.dma_semaphore, #tpu.memory_space<semaphore_mem>>)
      %dma_wait3A = arith.constant 0 : i32
      %dma_wait3A_64 = tpu.memref_slice %arg11[%add3A_31, %dma_wait3A] : memref<10000x128xf32, #tpu.memory_space<vmem_shared>> -> memref<128x128xf32, #tpu.memory_space<vmem_shared>>
      %dma_wait3A_65 = arith.constant 0 : i32
      %dma_wait3A_66 = tpu.memref_slice %arg11[%add3A_31, %dma_wait3A_65] : memref<10000x128xf32, #tpu.memory_space<vmem_shared>> -> memref<128x128xf32, #tpu.memory_space<vmem_shared>>
      tpu.wait_dma2 semaphore(%run_scoped3A : memref<!tpu.dma_semaphore, #tpu.memory_space<semaphore_mem>>) src(%arg18 : memref<128x128xf32, #tpu.memory_space<vmem>>) dst(%dma_wait3A_66 : memref<128x128xf32, #tpu.memory_space<vmem_shared>>)
      tpu.yield
    }) : () -> ()
    %add3A_32 = arith.constant 128 : i32
    %add3A_33 = arith.addi %mul3A_0, %add3A_32 : i32
    "tpu.region"() ({
      %run_scoped3A = tpu.sem_alloc : memref<!tpu.dma_semaphore, #tpu.memory_space<semaphore_mem>>
      %dma_start3A = arith.constant 0 : i32
      %dma_start3A_61 = tpu.memref_slice %arg11[%add3A_33, %dma_start3A] : memref<10000x128xf32, #tpu.memory_space<vmem_shared>> -> memref<128x128xf32, #tpu.memory_space<vmem_shared>>
      %dma_start3A_62 = arith.constant 0 : i32
      %dma_start3A_63 = tpu.memref_slice %arg11[%add3A_33, %dma_start3A_62] : memref<10000x128xf32, #tpu.memory_space<vmem_shared>> -> memref<128x128xf32, #tpu.memory_space<vmem_shared>>
      tpu.enqueue_dma source(%arg18 : memref<128x128xf32, #tpu.memory_space<vmem>>) target(%dma_start3A_63 : memref<128x128xf32, #tpu.memory_space<vmem_shared>>) target_semaphore(%run_scoped3A : memref<!tpu.dma_semaphore, #tpu.memory_space<semaphore_mem>>)
      %dma_wait3A = arith.constant 0 : i32
      %dma_wait3A_64 = tpu.memref_slice %arg11[%add3A_33, %dma_wait3A] : memref<10000x128xf32, #tpu.memory_space<vmem_shared>> -> memref<128x128xf32, #tpu.memory_space<vmem_shared>>
      %dma_wait3A_65 = arith.constant 0 : i32
      %dma_wait3A_66 = tpu.memref_slice %arg11[%add3A_33, %dma_wait3A_65] : memref<10000x128xf32, #tpu.memory_space<vmem_shared>> -> memref<128x128xf32, #tpu.memory_space<vmem_shared>>
      tpu.wait_dma2 semaphore(%run_scoped3A : memref<!tpu.dma_semaphore, #tpu.memory_space<semaphore_mem>>) src(%arg18 : memref<128x128xf32, #tpu.memory_space<vmem>>) dst(%dma_wait3A_66 : memref<128x128xf32, #tpu.memory_space<vmem_shared>>)
      tpu.yield
    }) : () -> ()
    %add3A_34 = arith.constant 256 : i32
    %add3A_35 = arith.addi %mul3A_0, %add3A_34 : i32
    "tpu.region"() ({
      %run_scoped3A = tpu.sem_alloc : memref<!tpu.dma_semaphore, #tpu.memory_space<semaphore_mem>>
      %dma_start3A = arith.constant 0 : i32
      %dma_start3A_61 = tpu.memref_slice %arg11[%add3A_35, %dma_start3A] : memref<10000x128xf32, #tpu.memory_space<vmem_shared>> -> memref<128x128xf32, #tpu.memory_space<vmem_shared>>
      %dma_start3A_62 = arith.constant 0 : i32
      %dma_start3A_63 = tpu.memref_slice %arg11[%add3A_35, %dma_start3A_62] : memref<10000x128xf32, #tpu.memory_space<vmem_shared>> -> memref<128x128xf32, #tpu.memory_space<vmem_shared>>
      tpu.enqueue_dma source(%arg18 : memref<128x128xf32, #tpu.memory_space<vmem>>) target(%dma_start3A_63 : memref<128x128xf32, #tpu.memory_space<vmem_shared>>) target_semaphore(%run_scoped3A : memref<!tpu.dma_semaphore, #tpu.memory_space<semaphore_mem>>)
      %dma_wait3A = arith.constant 0 : i32
      %dma_wait3A_64 = tpu.memref_slice %arg11[%add3A_35, %dma_wait3A] : memref<10000x128xf32, #tpu.memory_space<vmem_shared>> -> memref<128x128xf32, #tpu.memory_space<vmem_shared>>
      %dma_wait3A_65 = arith.constant 0 : i32
      %dma_wait3A_66 = tpu.memref_slice %arg11[%add3A_35, %dma_wait3A_65] : memref<10000x128xf32, #tpu.memory_space<vmem_shared>> -> memref<128x128xf32, #tpu.memory_space<vmem_shared>>
      tpu.wait_dma2 semaphore(%run_scoped3A : memref<!tpu.dma_semaphore, #tpu.memory_space<semaphore_mem>>) src(%arg18 : memref<128x128xf32, #tpu.memory_space<vmem>>) dst(%dma_wait3A_66 : memref<128x128xf32, #tpu.memory_space<vmem_shared>>)
      tpu.yield
    }) : () -> ()
    %add3A_36 = arith.constant 384 : i32
    %add3A_37 = arith.addi %mul3A_0, %add3A_36 : i32
    "tpu.region"() ({
      %run_scoped3A = tpu.sem_alloc : memref<!tpu.dma_semaphore, #tpu.memory_space<semaphore_mem>>
      %dma_start3A = arith.constant 0 : i32
      %dma_start3A_61 = tpu.memref_slice %arg11[%add3A_37, %dma_start3A] : memref<10000x128xf32, #tpu.memory_space<vmem_shared>> -> memref<128x128xf32, #tpu.memory_space<vmem_shared>>
      %dma_start3A_62 = arith.constant 0 : i32
      %dma_start3A_63 = tpu.memref_slice %arg11[%add3A_37, %dma_start3A_62] : memref<10000x128xf32, #tpu.memory_space<vmem_shared>> -> memref<128x128xf32, #tpu.memory_space<vmem_shared>>
      tpu.enqueue_dma source(%arg18 : memref<128x128xf32, #tpu.memory_space<vmem>>) target(%dma_start3A_63 : memref<128x128xf32, #tpu.memory_space<vmem_shared>>) target_semaphore(%run_scoped3A : memref<!tpu.dma_semaphore, #tpu.memory_space<semaphore_mem>>)
      %dma_wait3A = arith.constant 0 : i32
      %dma_wait3A_64 = tpu.memref_slice %arg11[%add3A_37, %dma_wait3A] : memref<10000x128xf32, #tpu.memory_space<vmem_shared>> -> memref<128x128xf32, #tpu.memory_space<vmem_shared>>
      %dma_wait3A_65 = arith.constant 0 : i32
      %dma_wait3A_66 = tpu.memref_slice %arg11[%add3A_37, %dma_wait3A_65] : memref<10000x128xf32, #tpu.memory_space<vmem_shared>> -> memref<128x128xf32, #tpu.memory_space<vmem_shared>>
      tpu.wait_dma2 semaphore(%run_scoped3A : memref<!tpu.dma_semaphore, #tpu.memory_space<semaphore_mem>>) src(%arg18 : memref<128x128xf32, #tpu.memory_space<vmem>>) dst(%dma_wait3A_66 : memref<128x128xf32, #tpu.memory_space<vmem_shared>>)
      tpu.yield
    }) : () -> ()
    %add3A_38 = arith.constant 512 : i32
    %add3A_39 = arith.addi %mul3A_0, %add3A_38 : i32
    "tpu.region"() ({
      %run_scoped3A = tpu.sem_alloc : memref<!tpu.dma_semaphore, #tpu.memory_space<semaphore_mem>>
      %dma_start3A = arith.constant 0 : i32
      %dma_start3A_61 = tpu.memref_slice %arg11[%add3A_39, %dma_start3A] : memref<10000x128xf32, #tpu.memory_space<vmem_shared>> -> memref<128x128xf32, #tpu.memory_space<vmem_shared>>
      %dma_start3A_62 = arith.constant 0 : i32
      %dma_start3A_63 = tpu.memref_slice %arg11[%add3A_39, %dma_start3A_62] : memref<10000x128xf32, #tpu.memory_space<vmem_shared>> -> memref<128x128xf32, #tpu.memory_space<vmem_shared>>
      tpu.enqueue_dma source(%arg18 : memref<128x128xf32, #tpu.memory_space<vmem>>) target(%dma_start3A_63 : memref<128x128xf32, #tpu.memory_space<vmem_shared>>) target_semaphore(%run_scoped3A : memref<!tpu.dma_semaphore, #tpu.memory_space<semaphore_mem>>)
      %dma_wait3A = arith.constant 0 : i32
      %dma_wait3A_64 = tpu.memref_slice %arg11[%add3A_39, %dma_wait3A] : memref<10000x128xf32, #tpu.memory_space<vmem_shared>> -> memref<128x128xf32, #tpu.memory_space<vmem_shared>>
      %dma_wait3A_65 = arith.constant 0 : i32
      %dma_wait3A_66 = tpu.memref_slice %arg11[%add3A_39, %dma_wait3A_65] : memref<10000x128xf32, #tpu.memory_space<vmem_shared>> -> memref<128x128xf32, #tpu.memory_space<vmem_shared>>
      tpu.wait_dma2 semaphore(%run_scoped3A : memref<!tpu.dma_semaphore, #tpu.memory_space<semaphore_mem>>) src(%arg18 : memref<128x128xf32, #tpu.memory_space<vmem>>) dst(%dma_wait3A_66 : memref<128x128xf32, #tpu.memory_space<vmem_shared>>)
      tpu.yield
    }) : () -> ()
    "tpu.region"() ({
      %run_scoped3A = tpu.sem_alloc : memref<!tpu.dma_semaphore, #tpu.memory_space<semaphore_mem>>
      %dma_start3A = tpu.memref_slice %arg12[%mul3A_0] : memref<10000xf32, #tpu.memory_space<vmem_shared>> -> memref<640xf32, #tpu.memory_space<vmem_shared>>
      %dma_start3A_61 = tpu.memref_slice %arg12[%mul3A_0] : memref<10000xf32, #tpu.memory_space<vmem_shared>> -> memref<640xf32, #tpu.memory_space<vmem_shared>>
      tpu.enqueue_dma source(%arg20 : memref<640xf32, #tpu.memory_space<vmem>>) target(%dma_start3A_61 : memref<640xf32, #tpu.memory_space<vmem_shared>>) target_semaphore(%run_scoped3A : memref<!tpu.dma_semaphore, #tpu.memory_space<semaphore_mem>>)
      %dma_wait3A = tpu.memref_slice %arg12[%mul3A_0] : memref<10000xf32, #tpu.memory_space<vmem_shared>> -> memref<640xf32, #tpu.memory_space<vmem_shared>>
      %dma_wait3A_62 = tpu.memref_slice %arg12[%mul3A_0] : memref<10000xf32, #tpu.memory_space<vmem_shared>> -> memref<640xf32, #tpu.memory_space<vmem_shared>>
      tpu.wait_dma2 semaphore(%run_scoped3A : memref<!tpu.dma_semaphore, #tpu.memory_space<semaphore_mem>>) src(%arg20 : memref<640xf32, #tpu.memory_space<vmem>>) dst(%dma_wait3A_62 : memref<640xf32, #tpu.memory_space<vmem_shared>>)
      tpu.yield
    }) : () -> ()
    %barrier3A = arith.constant 0 : index
    tpu.barrier barrier_id(%barrier3A)
    %eq3A_40 = arith.constant 0 : i32
    %eq3A_41 = arith.cmpi eq, %arg0, %eq3A_40 : i32
    %convert_element_type3A_42 = arith.extui %eq3A_41 : i1 to i32
    %cond3A_43 = arith.constant 0 : i32
    %cond3A_44 = arith.cmpi ne, %convert_element_type3A_42, %cond3A_43 : i32
    scf.if %cond3A_44 {
      %add3A_61 = arith.constant 0 : i32
      %add3A_62 = arith.addi %mul3A_2, %add3A_61 : i32
      %dma_wait3A = tpu.memref_slice %arg3[%add3A_62] : memref<320000xi32, #tpu.memory_space<hbm>> -> memref<128xi32, #tpu.memory_space<hbm>>
      %dma_wait3A_63 = tpu.memref_slice %arg3[%add3A_62] : memref<320000xi32, #tpu.memory_space<hbm>> -> memref<128xi32, #tpu.memory_space<hbm>>
      tpu.wait_dma2 semaphore(%arg22 : memref<!tpu.dma_semaphore, #tpu.memory_space<semaphore_mem>>) src(%dma_wait3A_63 : memref<128xi32, #tpu.memory_space<hbm>>) dst(%arg13 : memref<128xi32, #tpu.memory_space<vmem>>)
      %dma_wait3A_64 = arith.constant 0 : i32
      %dma_wait3A_65 = tpu.memref_slice %arg2[%add3A_62, %dma_wait3A_64] : memref<320000x128xf32, #tpu.memory_space<hbm>> -> memref<128x128xf32, #tpu.memory_space<hbm>>
      %dma_wait3A_66 = arith.constant 0 : i32
      %dma_wait3A_67 = tpu.memref_slice %arg2[%add3A_62, %dma_wait3A_66] : memref<320000x128xf32, #tpu.memory_space<hbm>> -> memref<128x128xf32, #tpu.memory_space<hbm>>
      tpu.wait_dma2 semaphore(%arg25 : memref<!tpu.dma_semaphore, #tpu.memory_space<semaphore_mem>>) src(%dma_wait3A_67 : memref<128x128xf32, #tpu.memory_space<hbm>>) dst(%arg16 : memref<128x128xf32, #tpu.memory_space<vmem>>)
      %dma_start3A = arith.constant 0 : i32
      %dma_start3A_68 = arith.constant 0 : i32
      %dma_start3A_69 = tpu.memref_slice %arg11[%dma_start3A, %dma_start3A_68] : memref<10000x128xf32, #tpu.memory_space<vmem_shared>> -> memref<10000x128xf32, #tpu.memory_space<vmem_shared>>
      tpu.enqueue_indirect_dma source(%arg16 : memref<128x128xf32, #tpu.memory_space<vmem>>) target(%dma_start3A_69 : memref<10000x128xf32, #tpu.memory_space<vmem_shared>>) offsets(%arg13 : memref<128xi32, #tpu.memory_space<vmem>>) semaphore(%arg28 : memref<!tpu.dma_semaphore, #tpu.memory_space<semaphore_mem>>) {add = true}
      %dma_start3A_70 = arith.constant 0 : i32
      %dma_start3A_71 = tpu.memref_slice %arg12[%dma_start3A_70] : memref<10000xf32, #tpu.memory_space<vmem_shared>> -> memref<10000xf32, #tpu.memory_space<vmem_shared>>
      tpu.enqueue_indirect_dma source(%arg21 : memref<128xf32, #tpu.memory_space<vmem>>) target(%dma_start3A_71 : memref<10000xf32, #tpu.memory_space<vmem_shared>>) offsets(%arg13 : memref<128xi32, #tpu.memory_space<vmem>>) semaphore(%arg31 : memref<!tpu.dma_semaphore, #tpu.memory_space<semaphore_mem>>) {add = true}
      %add3A_72 = arith.constant 256 : i32
      %add3A_73 = arith.addi %mul3A_2, %add3A_72 : i32
      %dma_start3A_74 = tpu.memref_slice %arg3[%add3A_73] : memref<320000xi32, #tpu.memory_space<hbm>> -> memref<128xi32, #tpu.memory_space<hbm>>
      %dma_start3A_75 = tpu.memref_slice %arg3[%add3A_73] : memref<320000xi32, #tpu.memory_space<hbm>> -> memref<128xi32, #tpu.memory_space<hbm>>
      tpu.enqueue_dma source(%dma_start3A_75 : memref<128xi32, #tpu.memory_space<hbm>>) target(%arg15 : memref<128xi32, #tpu.memory_space<vmem>>) target_semaphore(%arg24 : memref<!tpu.dma_semaphore, #tpu.memory_space<semaphore_mem>>)
      %dma_start3A_76 = arith.constant 0 : i32
      %dma_start3A_77 = tpu.memref_slice %arg2[%add3A_73, %dma_start3A_76] : memref<320000x128xf32, #tpu.memory_space<hbm>> -> memref<128x128xf32, #tpu.memory_space<hbm>>
      %dma_start3A_78 = arith.constant 0 : i32
      %dma_start3A_79 = tpu.memref_slice %arg2[%add3A_73, %dma_start3A_78] : memref<320000x128xf32, #tpu.memory_space<hbm>> -> memref<128x128xf32, #tpu.memory_space<hbm>>
      tpu.enqueue_dma source(%dma_start3A_79 : memref<128x128xf32, #tpu.memory_space<hbm>>) target(%arg18 : memref<128x128xf32, #tpu.memory_space<vmem>>) target_semaphore(%arg27 : memref<!tpu.dma_semaphore, #tpu.memory_space<semaphore_mem>>)
      %add3A_80 = arith.constant 128 : i32
      %add3A_81 = arith.addi %mul3A_2, %add3A_80 : i32
      %dma_wait3A_82 = tpu.memref_slice %arg3[%add3A_81] : memref<320000xi32, #tpu.memory_space<hbm>> -> memref<128xi32, #tpu.memory_space<hbm>>
      %dma_wait3A_83 = tpu.memref_slice %arg3[%add3A_81] : memref<320000xi32, #tpu.memory_space<hbm>> -> memref<128xi32, #tpu.memory_space<hbm>>
      tpu.wait_dma2 semaphore(%arg23 : memref<!tpu.dma_semaphore, #tpu.memory_space<semaphore_mem>>) src(%dma_wait3A_83 : memref<128xi32, #tpu.memory_space<hbm>>) dst(%arg14 : memref<128xi32, #tpu.memory_space<vmem>>)
      %dma_wait3A_84 = arith.constant 0 : i32
      %dma_wait3A_85 = tpu.memref_slice %arg2[%add3A_81, %dma_wait3A_84] : memref<320000x128xf32, #tpu.memory_space<hbm>> -> memref<128x128xf32, #tpu.memory_space<hbm>>
      %dma_wait3A_86 = arith.constant 0 : i32
      %dma_wait3A_87 = tpu.memref_slice %arg2[%add3A_81, %dma_wait3A_86] : memref<320000x128xf32, #tpu.memory_space<hbm>> -> memref<128x128xf32, #tpu.memory_space<hbm>>
      tpu.wait_dma2 semaphore(%arg26 : memref<!tpu.dma_semaphore, #tpu.memory_space<semaphore_mem>>) src(%dma_wait3A_87 : memref<128x128xf32, #tpu.memory_space<hbm>>) dst(%arg17 : memref<128x128xf32, #tpu.memory_space<vmem>>)
      %dma_start3A_88 = arith.constant 0 : i32
      %dma_start3A_89 = arith.constant 0 : i32
      %dma_start3A_90 = tpu.memref_slice %arg11[%dma_start3A_88, %dma_start3A_89] : memref<10000x128xf32, #tpu.memory_space<vmem_shared>> -> memref<10000x128xf32, #tpu.memory_space<vmem_shared>>
      tpu.enqueue_indirect_dma source(%arg17 : memref<128x128xf32, #tpu.memory_space<vmem>>) target(%dma_start3A_90 : memref<10000x128xf32, #tpu.memory_space<vmem_shared>>) offsets(%arg14 : memref<128xi32, #tpu.memory_space<vmem>>) semaphore(%arg29 : memref<!tpu.dma_semaphore, #tpu.memory_space<semaphore_mem>>) {add = true}
      %dma_start3A_91 = arith.constant 0 : i32
      %dma_start3A_92 = tpu.memref_slice %arg12[%dma_start3A_91] : memref<10000xf32, #tpu.memory_space<vmem_shared>> -> memref<10000xf32, #tpu.memory_space<vmem_shared>>
      tpu.enqueue_indirect_dma source(%arg21 : memref<128xf32, #tpu.memory_space<vmem>>) target(%dma_start3A_92 : memref<10000xf32, #tpu.memory_space<vmem_shared>>) offsets(%arg14 : memref<128xi32, #tpu.memory_space<vmem>>) semaphore(%arg32 : memref<!tpu.dma_semaphore, #tpu.memory_space<semaphore_mem>>) {add = true}
      %dma_wait3A_93 = arith.constant 0 : i32
      %dma_wait3A_94 = arith.constant 0 : i32
      %dma_wait3A_95 = tpu.memref_slice %arg11[%dma_wait3A_93, %dma_wait3A_94] : memref<10000x128xf32, #tpu.memory_space<vmem_shared>> -> memref<10000x128xf32, #tpu.memory_space<vmem_shared>>
      tpu.wait_indirect_dma semaphore(%arg28 : memref<!tpu.dma_semaphore, #tpu.memory_space<semaphore_mem>>) src(%arg16 : memref<128x128xf32, #tpu.memory_space<vmem>>) dst(%dma_wait3A_95 : memref<10000x128xf32, #tpu.memory_space<vmem_shared>>)
      %dma_wait3A_96 = arith.constant 0 : i32
      %dma_wait3A_97 = tpu.memref_slice %arg12[%dma_wait3A_96] : memref<10000xf32, #tpu.memory_space<vmem_shared>> -> memref<10000xf32, #tpu.memory_space<vmem_shared>>
      tpu.wait_indirect_dma semaphore(%arg31 : memref<!tpu.dma_semaphore, #tpu.memory_space<semaphore_mem>>) src(%arg21 : memref<128xf32, #tpu.memory_space<vmem>>) dst(%dma_wait3A_97 : memref<10000xf32, #tpu.memory_space<vmem_shared>>)
      %add3A_98 = arith.constant 384 : i32
      %add3A_99 = arith.addi %mul3A_2, %add3A_98 : i32
      %dma_start3A_100 = tpu.memref_slice %arg3[%add3A_99] : memref<320000xi32, #tpu.memory_space<hbm>> -> memref<128xi32, #tpu.memory_space<hbm>>
      %dma_start3A_101 = tpu.memref_slice %arg3[%add3A_99] : memref<320000xi32, #tpu.memory_space<hbm>> -> memref<128xi32, #tpu.memory_space<hbm>>
      tpu.enqueue_dma source(%dma_start3A_101 : memref<128xi32, #tpu.memory_space<hbm>>) target(%arg13 : memref<128xi32, #tpu.memory_space<vmem>>) target_semaphore(%arg22 : memref<!tpu.dma_semaphore, #tpu.memory_space<semaphore_mem>>)
      %dma_start3A_102 = arith.constant 0 : i32
      %dma_start3A_103 = tpu.memref_slice %arg2[%add3A_99, %dma_start3A_102] : memref<320000x128xf32, #tpu.memory_space<hbm>> -> memref<128x128xf32, #tpu.memory_space<hbm>>
      %dma_start3A_104 = arith.constant 0 : i32
      %dma_start3A_105 = tpu.memref_slice %arg2[%add3A_99, %dma_start3A_104] : memref<320000x128xf32, #tpu.memory_space<hbm>> -> memref<128x128xf32, #tpu.memory_space<hbm>>
      tpu.enqueue_dma source(%dma_start3A_105 : memref<128x128xf32, #tpu.memory_space<hbm>>) target(%arg16 : memref<128x128xf32, #tpu.memory_space<vmem>>) target_semaphore(%arg25 : memref<!tpu.dma_semaphore, #tpu.memory_space<semaphore_mem>>)
      %add3A_106 = arith.constant 256 : i32
      %add3A_107 = arith.addi %mul3A_2, %add3A_106 : i32
      %dma_wait3A_108 = tpu.memref_slice %arg3[%add3A_107] : memref<320000xi32, #tpu.memory_space<hbm>> -> memref<128xi32, #tpu.memory_space<hbm>>
      %dma_wait3A_109 = tpu.memref_slice %arg3[%add3A_107] : memref<320000xi32, #tpu.memory_space<hbm>> -> memref<128xi32, #tpu.memory_space<hbm>>
      tpu.wait_dma2 semaphore(%arg24 : memref<!tpu.dma_semaphore, #tpu.memory_space<semaphore_mem>>) src(%dma_wait3A_109 : memref<128xi32, #tpu.memory_space<hbm>>) dst(%arg15 : memref<128xi32, #tpu.memory_space<vmem>>)
      %dma_wait3A_110 = arith.constant 0 : i32
      %dma_wait3A_111 = tpu.memref_slice %arg2[%add3A_107, %dma_wait3A_110] : memref<320000x128xf32, #tpu.memory_space<hbm>> -> memref<128x128xf32, #tpu.memory_space<hbm>>
      %dma_wait3A_112 = arith.constant 0 : i32
      %dma_wait3A_113 = tpu.memref_slice %arg2[%add3A_107, %dma_wait3A_112] : memref<320000x128xf32, #tpu.memory_space<hbm>> -> memref<128x128xf32, #tpu.memory_space<hbm>>
      tpu.wait_dma2 semaphore(%arg27 : memref<!tpu.dma_semaphore, #tpu.memory_space<semaphore_mem>>) src(%dma_wait3A_113 : memref<128x128xf32, #tpu.memory_space<hbm>>) dst(%arg18 : memref<128x128xf32, #tpu.memory_space<vmem>>)
      %dma_start3A_114 = arith.constant 0 : i32
      %dma_start3A_115 = arith.constant 0 : i32
      %dma_start3A_116 = tpu.memref_slice %arg11[%dma_start3A_114, %dma_start3A_115] : memref<10000x128xf32, #tpu.memory_space<vmem_shared>> -> memref<10000x128xf32, #tpu.memory_space<vmem_shared>>
      tpu.enqueue_indirect_dma source(%arg18 : memref<128x128xf32, #tpu.memory_space<vmem>>) target(%dma_start3A_116 : memref<10000x128xf32, #tpu.memory_space<vmem_shared>>) offsets(%arg15 : memref<128xi32, #tpu.memory_space<vmem>>) semaphore(%arg30 : memref<!tpu.dma_semaphore, #tpu.memory_space<semaphore_mem>>) {add = true}
      %dma_start3A_117 = arith.constant 0 : i32
      %dma_start3A_118 = tpu.memref_slice %arg12[%dma_start3A_117] : memref<10000xf32, #tpu.memory_space<vmem_shared>> -> memref<10000xf32, #tpu.memory_space<vmem_shared>>
      tpu.enqueue_indirect_dma source(%arg21 : memref<128xf32, #tpu.memory_space<vmem>>) target(%dma_start3A_118 : memref<10000xf32, #tpu.memory_space<vmem_shared>>) offsets(%arg15 : memref<128xi32, #tpu.memory_space<vmem>>) semaphore(%arg33 : memref<!tpu.dma_semaphore, #tpu.memory_space<semaphore_mem>>) {add = true}
      %dma_wait3A_119 = arith.constant 0 : i32
      %dma_wait3A_120 = arith.constant 0 : i32
      %dma_wait3A_121 = tpu.memref_slice %arg11[%dma_wait3A_119, %dma_wait3A_120] : memref<10000x128xf32, #tpu.memory_space<vmem_shared>> -> memref<10000x128xf32, #tpu.memory_space<vmem_shared>>
      tpu.wait_indirect_dma semaphore(%arg29 : memref<!tpu.dma_semaphore, #tpu.memory_space<semaphore_mem>>) src(%arg17 : memref<128x128xf32, #tpu.memory_space<vmem>>) dst(%dma_wait3A_121 : memref<10000x128xf32, #tpu.memory_space<vmem_shared>>)
      %dma_wait3A_122 = arith.constant 0 : i32
      %dma_wait3A_123 = tpu.memref_slice %arg12[%dma_wait3A_122] : memref<10000xf32, #tpu.memory_space<vmem_shared>> -> memref<10000xf32, #tpu.memory_space<vmem_shared>>
      tpu.wait_indirect_dma semaphore(%arg32 : memref<!tpu.dma_semaphore, #tpu.memory_space<semaphore_mem>>) src(%arg21 : memref<128xf32, #tpu.memory_space<vmem>>) dst(%dma_wait3A_123 : memref<10000xf32, #tpu.memory_space<vmem_shared>>)
      %add3A_124 = arith.constant 512 : i32
      %add3A_125 = arith.addi %mul3A_2, %add3A_124 : i32
      %dma_start3A_126 = tpu.memref_slice %arg3[%add3A_125] : memref<320000xi32, #tpu.memory_space<hbm>> -> memref<128xi32, #tpu.memory_space<hbm>>
      %dma_start3A_127 = tpu.memref_slice %arg3[%add3A_125] : memref<320000xi32, #tpu.memory_space<hbm>> -> memref<128xi32, #tpu.memory_space<hbm>>
      tpu.enqueue_dma source(%dma_start3A_127 : memref<128xi32, #tpu.memory_space<hbm>>) target(%arg14 : memref<128xi32, #tpu.memory_space<vmem>>) target_semaphore(%arg23 : memref<!tpu.dma_semaphore, #tpu.memory_space<semaphore_mem>>)
      %dma_start3A_128 = arith.constant 0 : i32
      %dma_start3A_129 = tpu.memref_slice %arg2[%add3A_125, %dma_start3A_128] : memref<320000x128xf32, #tpu.memory_space<hbm>> -> memref<128x128xf32, #tpu.memory_space<hbm>>
      %dma_start3A_130 = arith.constant 0 : i32
      %dma_start3A_131 = tpu.memref_slice %arg2[%add3A_125, %dma_start3A_130] : memref<320000x128xf32, #tpu.memory_space<hbm>> -> memref<128x128xf32, #tpu.memory_space<hbm>>
      tpu.enqueue_dma source(%dma_start3A_131 : memref<128x128xf32, #tpu.memory_space<hbm>>) target(%arg17 : memref<128x128xf32, #tpu.memory_space<vmem>>) target_semaphore(%arg26 : memref<!tpu.dma_semaphore, #tpu.memory_space<semaphore_mem>>)
      %scan3A_132 = arith.constant 0 : i32
      %scan3A_133 = arith.constant 1 : i32
      %scan3A_134 = arith.constant 51 : i32
      %scan3A_135 = arith.addi %scan3A_133, %scan3A_134 : i32
      %scan3A_136 = arith.constant 1 : i32
      scf.for %scan3A_155 = %scan3A_133 to %scan3A_135 step %scan3A_136  : i32 {
        %mul3A_156 = arith.constant 3 : i32
        %mul3A_157 = arith.muli %mul3A_156, %scan3A_155 : i32
        %add3A_158 = arith.constant 0 : i32
        %add3A_159 = arith.addi %mul3A_157, %add3A_158 : i32
        %mul3A_160 = arith.constant 128 : i32
        %mul3A_161 = arith.muli %add3A_159, %mul3A_160 : i32
        %add3A_162 = arith.addi %mul3A_2, %mul3A_161 : i32
        %dma_wait3A_163 = tpu.memref_slice %arg3[%add3A_162] : memref<320000xi32, #tpu.memory_space<hbm>> -> memref<128xi32, #tpu.memory_space<hbm>>
        %dma_wait3A_164 = tpu.memref_slice %arg3[%add3A_162] : memref<320000xi32, #tpu.memory_space<hbm>> -> memref<128xi32, #tpu.memory_space<hbm>>
        tpu.wait_dma2 semaphore(%arg22 : memref<!tpu.dma_semaphore, #tpu.memory_space<semaphore_mem>>) src(%dma_wait3A_164 : memref<128xi32, #tpu.memory_space<hbm>>) dst(%arg13 : memref<128xi32, #tpu.memory_space<vmem>>)
        %dma_wait3A_165 = arith.constant 0 : i32
        %dma_wait3A_166 = tpu.memref_slice %arg2[%add3A_162, %dma_wait3A_165] : memref<320000x128xf32, #tpu.memory_space<hbm>> -> memref<128x128xf32, #tpu.memory_space<hbm>>
        %dma_wait3A_167 = arith.constant 0 : i32
        %dma_wait3A_168 = tpu.memref_slice %arg2[%add3A_162, %dma_wait3A_167] : memref<320000x128xf32, #tpu.memory_space<hbm>> -> memref<128x128xf32, #tpu.memory_space<hbm>>
        tpu.wait_dma2 semaphore(%arg25 : memref<!tpu.dma_semaphore, #tpu.memory_space<semaphore_mem>>) src(%dma_wait3A_168 : memref<128x128xf32, #tpu.memory_space<hbm>>) dst(%arg16 : memref<128x128xf32, #tpu.memory_space<vmem>>)
        %dma_start3A_169 = arith.constant 0 : i32
        %dma_start3A_170 = arith.constant 0 : i32
        %dma_start3A_171 = tpu.memref_slice %arg11[%dma_start3A_169, %dma_start3A_170] : memref<10000x128xf32, #tpu.memory_space<vmem_shared>> -> memref<10000x128xf32, #tpu.memory_space<vmem_shared>>
        tpu.enqueue_indirect_dma source(%arg16 : memref<128x128xf32, #tpu.memory_space<vmem>>) target(%dma_start3A_171 : memref<10000x128xf32, #tpu.memory_space<vmem_shared>>) offsets(%arg13 : memref<128xi32, #tpu.memory_space<vmem>>) semaphore(%arg28 : memref<!tpu.dma_semaphore, #tpu.memory_space<semaphore_mem>>) {add = true}
        %dma_start3A_172 = arith.constant 0 : i32
        %dma_start3A_173 = tpu.memref_slice %arg12[%dma_start3A_172] : memref<10000xf32, #tpu.memory_space<vmem_shared>> -> memref<10000xf32, #tpu.memory_space<vmem_shared>>
        tpu.enqueue_indirect_dma source(%arg21 : memref<128xf32, #tpu.memory_space<vmem>>) target(%dma_start3A_173 : memref<10000xf32, #tpu.memory_space<vmem_shared>>) offsets(%arg13 : memref<128xi32, #tpu.memory_space<vmem>>) semaphore(%arg31 : memref<!tpu.dma_semaphore, #tpu.memory_space<semaphore_mem>>) {add = true}
        %add3A_174 = arith.constant 3 : i32
        %add3A_175 = arith.addi %add3A_159, %add3A_174 : i32
        %sub3A = arith.constant 1 : i32
        %sub3A_176 = arith.subi %add3A_175, %sub3A : i32
        %lt3A = arith.constant 156 : i32
        %lt3A_177 = arith.cmpi slt, %sub3A_176, %lt3A : i32
        %convert_element_type3A_178 = arith.extui %lt3A_177 : i1 to i32
        %cond3A_179 = arith.constant 0 : i32
        %cond3A_180 = arith.cmpi ne, %convert_element_type3A_178, %cond3A_179 : i32
        scf.if %cond3A_180 {
          %dma_wait3A_235 = arith.constant 0 : i32
          %dma_wait3A_236 = arith.constant 0 : i32
          %dma_wait3A_237 = tpu.memref_slice %arg11[%dma_wait3A_235, %dma_wait3A_236] : memref<10000x128xf32, #tpu.memory_space<vmem_shared>> -> memref<10000x128xf32, #tpu.memory_space<vmem_shared>>
          tpu.wait_indirect_dma semaphore(%arg30 : memref<!tpu.dma_semaphore, #tpu.memory_space<semaphore_mem>>) src(%arg18 : memref<128x128xf32, #tpu.memory_space<vmem>>) dst(%dma_wait3A_237 : memref<10000x128xf32, #tpu.memory_space<vmem_shared>>)
          %dma_wait3A_238 = arith.constant 0 : i32
          %dma_wait3A_239 = tpu.memref_slice %arg12[%dma_wait3A_238] : memref<10000xf32, #tpu.memory_space<vmem_shared>> -> memref<10000xf32, #tpu.memory_space<vmem_shared>>
          tpu.wait_indirect_dma semaphore(%arg33 : memref<!tpu.dma_semaphore, #tpu.memory_space<semaphore_mem>>) src(%arg21 : memref<128xf32, #tpu.memory_space<vmem>>) dst(%dma_wait3A_239 : memref<10000xf32, #tpu.memory_space<vmem_shared>>)
          %mul3A_240 = arith.constant 128 : i32
          %mul3A_241 = arith.muli %sub3A_176, %mul3A_240 : i32
          %add3A_242 = arith.addi %mul3A_2, %mul3A_241 : i32
          %dma_start3A_243 = tpu.memref_slice %arg3[%add3A_242] : memref<320000xi32, #tpu.memory_space<hbm>> -> memref<128xi32, #tpu.memory_space<hbm>>
          %dma_start3A_244 = tpu.memref_slice %arg3[%add3A_242] : memref<320000xi32, #tpu.memory_space<hbm>> -> memref<128xi32, #tpu.memory_space<hbm>>
          tpu.enqueue_dma source(%dma_start3A_244 : memref<128xi32, #tpu.memory_space<hbm>>) target(%arg15 : memref<128xi32, #tpu.memory_space<vmem>>) target_semaphore(%arg24 : memref<!tpu.dma_semaphore, #tpu.memory_space<semaphore_mem>>)
          %dma_start3A_245 = arith.constant 0 : i32
          %dma_start3A_246 = tpu.memref_slice %arg2[%add3A_242, %dma_start3A_245] : memref<320000x128xf32, #tpu.memory_space<hbm>> -> memref<128x128xf32, #tpu.memory_space<hbm>>
          %dma_start3A_247 = arith.constant 0 : i32
          %dma_start3A_248 = tpu.memref_slice %arg2[%add3A_242, %dma_start3A_247] : memref<320000x128xf32, #tpu.memory_space<hbm>> -> memref<128x128xf32, #tpu.memory_space<hbm>>
          tpu.enqueue_dma source(%dma_start3A_248 : memref<128x128xf32, #tpu.memory_space<hbm>>) target(%arg18 : memref<128x128xf32, #tpu.memory_space<vmem>>) target_semaphore(%arg27 : memref<!tpu.dma_semaphore, #tpu.memory_space<semaphore_mem>>)
        } else {
        }
        %mul3A_181 = arith.constant 3 : i32
        %mul3A_182 = arith.muli %mul3A_181, %scan3A_155 : i32
        %add3A_183 = arith.constant 1 : i32
        %add3A_184 = arith.addi %mul3A_182, %add3A_183 : i32
        %mul3A_185 = arith.constant 128 : i32
        %mul3A_186 = arith.muli %add3A_184, %mul3A_185 : i32
        %add3A_187 = arith.addi %mul3A_2, %mul3A_186 : i32
        %dma_wait3A_188 = tpu.memref_slice %arg3[%add3A_187] : memref<320000xi32, #tpu.memory_space<hbm>> -> memref<128xi32, #tpu.memory_space<hbm>>
        %dma_wait3A_189 = tpu.memref_slice %arg3[%add3A_187] : memref<320000xi32, #tpu.memory_space<hbm>> -> memref<128xi32, #tpu.memory_space<hbm>>
        tpu.wait_dma2 semaphore(%arg23 : memref<!tpu.dma_semaphore, #tpu.memory_space<semaphore_mem>>) src(%dma_wait3A_189 : memref<128xi32, #tpu.memory_space<hbm>>) dst(%arg14 : memref<128xi32, #tpu.memory_space<vmem>>)
        %dma_wait3A_190 = arith.constant 0 : i32
        %dma_wait3A_191 = tpu.memref_slice %arg2[%add3A_187, %dma_wait3A_190] : memref<320000x128xf32, #tpu.memory_space<hbm>> -> memref<128x128xf32, #tpu.memory_space<hbm>>
        %dma_wait3A_192 = arith.constant 0 : i32
        %dma_wait3A_193 = tpu.memref_slice %arg2[%add3A_187, %dma_wait3A_192] : memref<320000x128xf32, #tpu.memory_space<hbm>> -> memref<128x128xf32, #tpu.memory_space<hbm>>
        tpu.wait_dma2 semaphore(%arg26 : memref<!tpu.dma_semaphore, #tpu.memory_space<semaphore_mem>>) src(%dma_wait3A_193 : memref<128x128xf32, #tpu.memory_space<hbm>>) dst(%arg17 : memref<128x128xf32, #tpu.memory_space<vmem>>)
        %dma_start3A_194 = arith.constant 0 : i32
        %dma_start3A_195 = arith.constant 0 : i32
        %dma_start3A_196 = tpu.memref_slice %arg11[%dma_start3A_194, %dma_start3A_195] : memref<10000x128xf32, #tpu.memory_space<vmem_shared>> -> memref<10000x128xf32, #tpu.memory_space<vmem_shared>>
        tpu.enqueue_indirect_dma source(%arg17 : memref<128x128xf32, #tpu.memory_space<vmem>>) target(%dma_start3A_196 : memref<10000x128xf32, #tpu.memory_space<vmem_shared>>) offsets(%arg14 : memref<128xi32, #tpu.memory_space<vmem>>) semaphore(%arg29 : memref<!tpu.dma_semaphore, #tpu.memory_space<semaphore_mem>>) {add = true}
        %dma_start3A_197 = arith.constant 0 : i32
        %dma_start3A_198 = tpu.memref_slice %arg12[%dma_start3A_197] : memref<10000xf32, #tpu.memory_space<vmem_shared>> -> memref<10000xf32, #tpu.memory_space<vmem_shared>>
        tpu.enqueue_indirect_dma source(%arg21 : memref<128xf32, #tpu.memory_space<vmem>>) target(%dma_start3A_198 : memref<10000xf32, #tpu.memory_space<vmem_shared>>) offsets(%arg14 : memref<128xi32, #tpu.memory_space<vmem>>) semaphore(%arg32 : memref<!tpu.dma_semaphore, #tpu.memory_space<semaphore_mem>>) {add = true}
        %add3A_199 = arith.constant 3 : i32
        %add3A_200 = arith.addi %add3A_184, %add3A_199 : i32
        %sub3A_201 = arith.constant 1 : i32
        %sub3A_202 = arith.subi %add3A_200, %sub3A_201 : i32
        %lt3A_203 = arith.constant 156 : i32
        %lt3A_204 = arith.cmpi slt, %sub3A_202, %lt3A_203 : i32
        %convert_element_type3A_205 = arith.extui %lt3A_204 : i1 to i32
        %cond3A_206 = arith.constant 0 : i32
        %cond3A_207 = arith.cmpi ne, %convert_element_type3A_205, %cond3A_206 : i32
        scf.if %cond3A_207 {
          %dma_wait3A_235 = arith.constant 0 : i32
          %dma_wait3A_236 = arith.constant 0 : i32
          %dma_wait3A_237 = tpu.memref_slice %arg11[%dma_wait3A_235, %dma_wait3A_236] : memref<10000x128xf32, #tpu.memory_space<vmem_shared>> -> memref<10000x128xf32, #tpu.memory_space<vmem_shared>>
          tpu.wait_indirect_dma semaphore(%arg28 : memref<!tpu.dma_semaphore, #tpu.memory_space<semaphore_mem>>) src(%arg16 : memref<128x128xf32, #tpu.memory_space<vmem>>) dst(%dma_wait3A_237 : memref<10000x128xf32, #tpu.memory_space<vmem_shared>>)
          %dma_wait3A_238 = arith.constant 0 : i32
          %dma_wait3A_239 = tpu.memref_slice %arg12[%dma_wait3A_238] : memref<10000xf32, #tpu.memory_space<vmem_shared>> -> memref<10000xf32, #tpu.memory_space<vmem_shared>>
          tpu.wait_indirect_dma semaphore(%arg31 : memref<!tpu.dma_semaphore, #tpu.memory_space<semaphore_mem>>) src(%arg21 : memref<128xf32, #tpu.memory_space<vmem>>) dst(%dma_wait3A_239 : memref<10000xf32, #tpu.memory_space<vmem_shared>>)
          %mul3A_240 = arith.constant 128 : i32
          %mul3A_241 = arith.muli %sub3A_202, %mul3A_240 : i32
          %add3A_242 = arith.addi %mul3A_2, %mul3A_241 : i32
          %dma_start3A_243 = tpu.memref_slice %arg3[%add3A_242] : memref<320000xi32, #tpu.memory_space<hbm>> -> memref<128xi32, #tpu.memory_space<hbm>>
          %dma_start3A_244 = tpu.memref_slice %arg3[%add3A_242] : memref<320000xi32, #tpu.memory_space<hbm>> -> memref<128xi32, #tpu.memory_space<hbm>>
          tpu.enqueue_dma source(%dma_start3A_244 : memref<128xi32, #tpu.memory_space<hbm>>) target(%arg13 : memref<128xi32, #tpu.memory_space<vmem>>) target_semaphore(%arg22 : memref<!tpu.dma_semaphore, #tpu.memory_space<semaphore_mem>>)
          %dma_start3A_245 = arith.constant 0 : i32
          %dma_start3A_246 = tpu.memref_slice %arg2[%add3A_242, %dma_start3A_245] : memref<320000x128xf32, #tpu.memory_space<hbm>> -> memref<128x128xf32, #tpu.memory_space<hbm>>
          %dma_start3A_247 = arith.constant 0 : i32
          %dma_start3A_248 = tpu.memref_slice %arg2[%add3A_242, %dma_start3A_247] : memref<320000x128xf32, #tpu.memory_space<hbm>> -> memref<128x128xf32, #tpu.memory_space<hbm>>
          tpu.enqueue_dma source(%dma_start3A_248 : memref<128x128xf32, #tpu.memory_space<hbm>>) target(%arg16 : memref<128x128xf32, #tpu.memory_space<vmem>>) target_semaphore(%arg25 : memref<!tpu.dma_semaphore, #tpu.memory_space<semaphore_mem>>)
        } else {
        }
        %mul3A_208 = arith.constant 3 : i32
        %mul3A_209 = arith.muli %mul3A_208, %scan3A_155 : i32
        %add3A_210 = arith.constant 2 : i32
        %add3A_211 = arith.addi %mul3A_209, %add3A_210 : i32
        %mul3A_212 = arith.constant 128 : i32
        %mul3A_213 = arith.muli %add3A_211, %mul3A_212 : i32
        %add3A_214 = arith.addi %mul3A_2, %mul3A_213 : i32
        %dma_wait3A_215 = tpu.memref_slice %arg3[%add3A_214] : memref<320000xi32, #tpu.memory_space<hbm>> -> memref<128xi32, #tpu.memory_space<hbm>>
        %dma_wait3A_216 = tpu.memref_slice %arg3[%add3A_214] : memref<320000xi32, #tpu.memory_space<hbm>> -> memref<128xi32, #tpu.memory_space<hbm>>
        tpu.wait_dma2 semaphore(%arg24 : memref<!tpu.dma_semaphore, #tpu.memory_space<semaphore_mem>>) src(%dma_wait3A_216 : memref<128xi32, #tpu.memory_space<hbm>>) dst(%arg15 : memref<128xi32, #tpu.memory_space<vmem>>)
        %dma_wait3A_217 = arith.constant 0 : i32
        %dma_wait3A_218 = tpu.memref_slice %arg2[%add3A_214, %dma_wait3A_217] : memref<320000x128xf32, #tpu.memory_space<hbm>> -> memref<128x128xf32, #tpu.memory_space<hbm>>
        %dma_wait3A_219 = arith.constant 0 : i32
        %dma_wait3A_220 = tpu.memref_slice %arg2[%add3A_214, %dma_wait3A_219] : memref<320000x128xf32, #tpu.memory_space<hbm>> -> memref<128x128xf32, #tpu.memory_space<hbm>>
        tpu.wait_dma2 semaphore(%arg27 : memref<!tpu.dma_semaphore, #tpu.memory_space<semaphore_mem>>) src(%dma_wait3A_220 : memref<128x128xf32, #tpu.memory_space<hbm>>) dst(%arg18 : memref<128x128xf32, #tpu.memory_space<vmem>>)
        %dma_start3A_221 = arith.constant 0 : i32
        %dma_start3A_222 = arith.constant 0 : i32
        %dma_start3A_223 = tpu.memref_slice %arg11[%dma_start3A_221, %dma_start3A_222] : memref<10000x128xf32, #tpu.memory_space<vmem_shared>> -> memref<10000x128xf32, #tpu.memory_space<vmem_shared>>
        tpu.enqueue_indirect_dma source(%arg18 : memref<128x128xf32, #tpu.memory_space<vmem>>) target(%dma_start3A_223 : memref<10000x128xf32, #tpu.memory_space<vmem_shared>>) offsets(%arg15 : memref<128xi32, #tpu.memory_space<vmem>>) semaphore(%arg30 : memref<!tpu.dma_semaphore, #tpu.memory_space<semaphore_mem>>) {add = true}
        %dma_start3A_224 = arith.constant 0 : i32
        %dma_start3A_225 = tpu.memref_slice %arg12[%dma_start3A_224] : memref<10000xf32, #tpu.memory_space<vmem_shared>> -> memref<10000xf32, #tpu.memory_space<vmem_shared>>
        tpu.enqueue_indirect_dma source(%arg21 : memref<128xf32, #tpu.memory_space<vmem>>) target(%dma_start3A_225 : memref<10000xf32, #tpu.memory_space<vmem_shared>>) offsets(%arg15 : memref<128xi32, #tpu.memory_space<vmem>>) semaphore(%arg33 : memref<!tpu.dma_semaphore, #tpu.memory_space<semaphore_mem>>) {add = true}
        %add3A_226 = arith.constant 3 : i32
        %add3A_227 = arith.addi %add3A_211, %add3A_226 : i32
        %sub3A_228 = arith.constant 1 : i32
        %sub3A_229 = arith.subi %add3A_227, %sub3A_228 : i32
        %lt3A_230 = arith.constant 156 : i32
        %lt3A_231 = arith.cmpi slt, %sub3A_229, %lt3A_230 : i32
        %convert_element_type3A_232 = arith.extui %lt3A_231 : i1 to i32
        %cond3A_233 = arith.constant 0 : i32
        %cond3A_234 = arith.cmpi ne, %convert_element_type3A_232, %cond3A_233 : i32
        scf.if %cond3A_234 {
          %dma_wait3A_235 = arith.constant 0 : i32
          %dma_wait3A_236 = arith.constant 0 : i32
          %dma_wait3A_237 = tpu.memref_slice %arg11[%dma_wait3A_235, %dma_wait3A_236] : memref<10000x128xf32, #tpu.memory_space<vmem_shared>> -> memref<10000x128xf32, #tpu.memory_space<vmem_shared>>
          tpu.wait_indirect_dma semaphore(%arg29 : memref<!tpu.dma_semaphore, #tpu.memory_space<semaphore_mem>>) src(%arg17 : memref<128x128xf32, #tpu.memory_space<vmem>>) dst(%dma_wait3A_237 : memref<10000x128xf32, #tpu.memory_space<vmem_shared>>)
          %dma_wait3A_238 = arith.constant 0 : i32
          %dma_wait3A_239 = tpu.memref_slice %arg12[%dma_wait3A_238] : memref<10000xf32, #tpu.memory_space<vmem_shared>> -> memref<10000xf32, #tpu.memory_space<vmem_shared>>
          tpu.wait_indirect_dma semaphore(%arg32 : memref<!tpu.dma_semaphore, #tpu.memory_space<semaphore_mem>>) src(%arg21 : memref<128xf32, #tpu.memory_space<vmem>>) dst(%dma_wait3A_239 : memref<10000xf32, #tpu.memory_space<vmem_shared>>)
          %mul3A_240 = arith.constant 128 : i32
          %mul3A_241 = arith.muli %sub3A_229, %mul3A_240 : i32
          %add3A_242 = arith.addi %mul3A_2, %mul3A_241 : i32
          %dma_start3A_243 = tpu.memref_slice %arg3[%add3A_242] : memref<320000xi32, #tpu.memory_space<hbm>> -> memref<128xi32, #tpu.memory_space<hbm>>
          %dma_start3A_244 = tpu.memref_slice %arg3[%add3A_242] : memref<320000xi32, #tpu.memory_space<hbm>> -> memref<128xi32, #tpu.memory_space<hbm>>
          tpu.enqueue_dma source(%dma_start3A_244 : memref<128xi32, #tpu.memory_space<hbm>>) target(%arg14 : memref<128xi32, #tpu.memory_space<vmem>>) target_semaphore(%arg23 : memref<!tpu.dma_semaphore, #tpu.memory_space<semaphore_mem>>)
          %dma_start3A_245 = arith.constant 0 : i32
          %dma_start3A_246 = tpu.memref_slice %arg2[%add3A_242, %dma_start3A_245] : memref<320000x128xf32, #tpu.memory_space<hbm>> -> memref<128x128xf32, #tpu.memory_space<hbm>>
          %dma_start3A_247 = arith.constant 0 : i32
          %dma_start3A_248 = tpu.memref_slice %arg2[%add3A_242, %dma_start3A_247] : memref<320000x128xf32, #tpu.memory_space<hbm>> -> memref<128x128xf32, #tpu.memory_space<hbm>>
          tpu.enqueue_dma source(%dma_start3A_248 : memref<128x128xf32, #tpu.memory_space<hbm>>) target(%arg17 : memref<128x128xf32, #tpu.memory_space<vmem>>) target_semaphore(%arg26 : memref<!tpu.dma_semaphore, #tpu.memory_space<semaphore_mem>>)
        } else {
        }
      }
      %scan3A_137 = arith.constant 51 : i32
      %dma_wait3A_138 = arith.constant 0 : i32
      %dma_wait3A_139 = arith.constant 0 : i32
      %dma_wait3A_140 = tpu.memref_slice %arg11[%dma_wait3A_138, %dma_wait3A_139] : memref<10000x128xf32, #tpu.memory_space<vmem_shared>> -> memref<10000x128xf32, #tpu.memory_space<vmem_shared>>
      tpu.wait_indirect_dma semaphore(%arg28 : memref<!tpu.dma_semaphore, #tpu.memory_space<semaphore_mem>>) src(%arg16 : memref<128x128xf32, #tpu.memory_space<vmem>>) dst(%dma_wait3A_140 : memref<10000x128xf32, #tpu.memory_space<vmem_shared>>)
      %dma_wait3A_141 = arith.constant 0 : i32
      %dma_wait3A_142 = tpu.memref_slice %arg12[%dma_wait3A_141] : memref<10000xf32, #tpu.memory_space<vmem_shared>> -> memref<10000xf32, #tpu.memory_space<vmem_shared>>
      tpu.wait_indirect_dma semaphore(%arg31 : memref<!tpu.dma_semaphore, #tpu.memory_space<semaphore_mem>>) src(%arg21 : memref<128xf32, #tpu.memory_space<vmem>>) dst(%dma_wait3A_142 : memref<10000xf32, #tpu.memory_space<vmem_shared>>)
      %dma_wait3A_143 = arith.constant 0 : i32
      %dma_wait3A_144 = arith.constant 0 : i32
      %dma_wait3A_145 = tpu.memref_slice %arg11[%dma_wait3A_143, %dma_wait3A_144] : memref<10000x128xf32, #tpu.memory_space<vmem_shared>> -> memref<10000x128xf32, #tpu.memory_space<vmem_shared>>
      tpu.wait_indirect_dma semaphore(%arg29 : memref<!tpu.dma_semaphore, #tpu.memory_space<semaphore_mem>>) src(%arg17 : memref<128x128xf32, #tpu.memory_space<vmem>>) dst(%dma_wait3A_145 : memref<10000x128xf32, #tpu.memory_space<vmem_shared>>)
      %dma_wait3A_146 = arith.constant 0 : i32
      %dma_wait3A_147 = tpu.memref_slice %arg12[%dma_wait3A_146] : memref<10000xf32, #tpu.memory_space<vmem_shared>> -> memref<10000xf32, #tpu.memory_space<vmem_shared>>
      tpu.wait_indirect_dma semaphore(%arg32 : memref<!tpu.dma_semaphore, #tpu.memory_space<semaphore_mem>>) src(%arg21 : memref<128xf32, #tpu.memory_space<vmem>>) dst(%dma_wait3A_147 : memref<10000xf32, #tpu.memory_space<vmem_shared>>)
      %dma_wait3A_148 = arith.constant 0 : i32
      %dma_wait3A_149 = arith.constant 0 : i32
      %dma_wait3A_150 = tpu.memref_slice %arg11[%dma_wait3A_148, %dma_wait3A_149] : memref<10000x128xf32, #tpu.memory_space<vmem_shared>> -> memref<10000x128xf32, #tpu.memory_space<vmem_shared>>
      tpu.wait_indirect_dma semaphore(%arg30 : memref<!tpu.dma_semaphore, #tpu.memory_space<semaphore_mem>>) src(%arg18 : memref<128x128xf32, #tpu.memory_space<vmem>>) dst(%dma_wait3A_150 : memref<10000x128xf32, #tpu.memory_space<vmem_shared>>)
      %dma_wait3A_151 = arith.constant 0 : i32
      %dma_wait3A_152 = tpu.memref_slice %arg12[%dma_wait3A_151] : memref<10000xf32, #tpu.memory_space<vmem_shared>> -> memref<10000xf32, #tpu.memory_space<vmem_shared>>
      tpu.wait_indirect_dma semaphore(%arg33 : memref<!tpu.dma_semaphore, #tpu.memory_space<semaphore_mem>>) src(%arg21 : memref<128xf32, #tpu.memory_space<vmem>>) dst(%dma_wait3A_152 : memref<10000xf32, #tpu.memory_space<vmem_shared>>)
      %add3A_153 = arith.constant 19968 : i32
      %add3A_154 = arith.addi %mul3A_2, %add3A_153 : i32
      "tpu.region"() ({
        %run_scoped3A = tpu.sem_alloc : memref<!tpu.dma_semaphore, #tpu.memory_space<semaphore_mem>>
        %dma_start3A_155 = tpu.memref_slice %arg3[%add3A_154] : memref<320000xi32, #tpu.memory_space<hbm>> -> memref<32xi32, #tpu.memory_space<hbm>>
        %dma_start3A_156 = tpu.memref_slice %arg3[%add3A_154] : memref<320000xi32, #tpu.memory_space<hbm>> -> memref<32xi32, #tpu.memory_space<hbm>>
        tpu.enqueue_dma source(%dma_start3A_156 : memref<32xi32, #tpu.memory_space<hbm>>) target(%arg19 : memref<32xi32, #tpu.memory_space<vmem>>) target_semaphore(%run_scoped3A : memref<!tpu.dma_semaphore, #tpu.memory_space<semaphore_mem>>)
        %dma_wait3A_157 = tpu.memref_slice %arg3[%add3A_154] : memref<320000xi32, #tpu.memory_space<hbm>> -> memref<32xi32, #tpu.memory_space<hbm>>
        %dma_wait3A_158 = tpu.memref_slice %arg3[%add3A_154] : memref<320000xi32, #tpu.memory_space<hbm>> -> memref<32xi32, #tpu.memory_space<hbm>>
        tpu.wait_dma2 semaphore(%run_scoped3A : memref<!tpu.dma_semaphore, #tpu.memory_space<semaphore_mem>>) src(%dma_wait3A_158 : memref<32xi32, #tpu.memory_space<hbm>>) dst(%arg19 : memref<32xi32, #tpu.memory_space<vmem>>)
        tpu.yield
      }) : () -> ()
      "tpu.region"() ({
        %run_scoped3A = tpu.sem_alloc : memref<!tpu.dma_semaphore, #tpu.memory_space<semaphore_mem>>
        %dma_start3A_155 = arith.constant 0 : i32
        %dma_start3A_156 = arith.constant 0 : i32
        %dma_start3A_157 = tpu.memref_slice %arg16[%dma_start3A_155, %dma_start3A_156] : memref<128x128xf32, #tpu.memory_space<vmem>> -> memref<32x128xf32, #tpu.memory_space<vmem>>
        %dma_start3A_158 = arith.constant 0 : i32
        %dma_start3A_159 = tpu.memref_slice %arg2[%add3A_154, %dma_start3A_158] : memref<320000x128xf32, #tpu.memory_space<hbm>> -> memref<32x128xf32, #tpu.memory_space<hbm>>
        %dma_start3A_160 = arith.constant 0 : i32
        %dma_start3A_161 = arith.constant 0 : i32
        %dma_start3A_162 = tpu.memref_slice %arg16[%dma_start3A_160, %dma_start3A_161] : memref<128x128xf32, #tpu.memory_space<vmem>> -> memref<32x128xf32, #tpu.memory_space<vmem>>
        %dma_start3A_163 = arith.constant 0 : i32
        %dma_start3A_164 = tpu.memref_slice %arg2[%add3A_154, %dma_start3A_163] : memref<320000x128xf32, #tpu.memory_space<hbm>> -> memref<32x128xf32, #tpu.memory_space<hbm>>
        tpu.enqueue_dma source(%dma_start3A_164 : memref<32x128xf32, #tpu.memory_space<hbm>>) target(%dma_start3A_162 : memref<32x128xf32, #tpu.memory_space<vmem>>) target_semaphore(%run_scoped3A : memref<!tpu.dma_semaphore, #tpu.memory_space<semaphore_mem>>)
        %dma_wait3A_165 = arith.constant 0 : i32
        %dma_wait3A_166 = arith.constant 0 : i32
        %dma_wait3A_167 = tpu.memref_slice %arg16[%dma_wait3A_165, %dma_wait3A_166] : memref<128x128xf32, #tpu.memory_space<vmem>> -> memref<32x128xf32, #tpu.memory_space<vmem>>
        %dma_wait3A_168 = arith.constant 0 : i32
        %dma_wait3A_169 = tpu.memref_slice %arg2[%add3A_154, %dma_wait3A_168] : memref<320000x128xf32, #tpu.memory_space<hbm>> -> memref<32x128xf32, #tpu.memory_space<hbm>>
        %dma_wait3A_170 = arith.constant 0 : i32
        %dma_wait3A_171 = arith.constant 0 : i32
        %dma_wait3A_172 = tpu.memref_slice %arg16[%dma_wait3A_170, %dma_wait3A_171] : memref<128x128xf32, #tpu.memory_space<vmem>> -> memref<32x128xf32, #tpu.memory_space<vmem>>
        %dma_wait3A_173 = arith.constant 0 : i32
        %dma_wait3A_174 = tpu.memref_slice %arg2[%add3A_154, %dma_wait3A_173] : memref<320000x128xf32, #tpu.memory_space<hbm>> -> memref<32x128xf32, #tpu.memory_space<hbm>>
        tpu.wait_dma2 semaphore(%run_scoped3A : memref<!tpu.dma_semaphore, #tpu.memory_space<semaphore_mem>>) src(%dma_wait3A_174 : memref<32x128xf32, #tpu.memory_space<hbm>>) dst(%dma_wait3A_172 : memref<32x128xf32, #tpu.memory_space<vmem>>)
        tpu.yield
      }) : () -> ()
      "tpu.region"() ({
        %run_scoped3A = tpu.sem_alloc : memref<!tpu.dma_semaphore, #tpu.memory_space<semaphore_mem>>
        %dma_start3A_155 = arith.constant 0 : i32
        %dma_start3A_156 = arith.constant 0 : i32
        %dma_start3A_157 = tpu.memref_slice %arg16[%dma_start3A_155, %dma_start3A_156] : memref<128x128xf32, #tpu.memory_space<vmem>> -> memref<32x128xf32, #tpu.memory_space<vmem>>
        %dma_start3A_158 = arith.constant 0 : i32
        %dma_start3A_159 = arith.constant 0 : i32
        %dma_start3A_160 = tpu.memref_slice %arg11[%dma_start3A_158, %dma_start3A_159] : memref<10000x128xf32, #tpu.memory_space<vmem_shared>> -> memref<10000x128xf32, #tpu.memory_space<vmem_shared>>
        tpu.enqueue_indirect_dma source(%dma_start3A_157 : memref<32x128xf32, #tpu.memory_space<vmem>>) target(%dma_start3A_160 : memref<10000x128xf32, #tpu.memory_space<vmem_shared>>) offsets(%arg19 : memref<32xi32, #tpu.memory_space<vmem>>) semaphore(%run_scoped3A : memref<!tpu.dma_semaphore, #tpu.memory_space<semaphore_mem>>) {add = true}
        %dma_wait3A_161 = arith.constant 0 : i32
        %dma_wait3A_162 = arith.constant 0 : i32
        %dma_wait3A_163 = tpu.memref_slice %arg16[%dma_wait3A_161, %dma_wait3A_162] : memref<128x128xf32, #tpu.memory_space<vmem>> -> memref<32x128xf32, #tpu.memory_space<vmem>>
        %dma_wait3A_164 = arith.constant 0 : i32
        %dma_wait3A_165 = arith.constant 0 : i32
        %dma_wait3A_166 = tpu.memref_slice %arg11[%dma_wait3A_164, %dma_wait3A_165] : memref<10000x128xf32, #tpu.memory_space<vmem_shared>> -> memref<10000x128xf32, #tpu.memory_space<vmem_shared>>
        tpu.wait_indirect_dma semaphore(%run_scoped3A : memref<!tpu.dma_semaphore, #tpu.memory_space<semaphore_mem>>) src(%dma_wait3A_163 : memref<32x128xf32, #tpu.memory_space<vmem>>) dst(%dma_wait3A_166 : memref<10000x128xf32, #tpu.memory_space<vmem_shared>>)
        tpu.yield
      }) : () -> ()
      "tpu.region"() ({
        %run_scoped3A = tpu.sem_alloc : memref<!tpu.dma_semaphore, #tpu.memory_space<semaphore_mem>>
        %dma_start3A_155 = arith.constant 0 : i32
        %dma_start3A_156 = tpu.memref_slice %arg21[%dma_start3A_155] : memref<128xf32, #tpu.memory_space<vmem>> -> memref<32xf32, #tpu.memory_space<vmem>>
        %dma_start3A_157 = arith.constant 0 : i32
        %dma_start3A_158 = tpu.memref_slice %arg12[%dma_start3A_157] : memref<10000xf32, #tpu.memory_space<vmem_shared>> -> memref<10000xf32, #tpu.memory_space<vmem_shared>>
        tpu.enqueue_indirect_dma source(%dma_start3A_156 : memref<32xf32, #tpu.memory_space<vmem>>) target(%dma_start3A_158 : memref<10000xf32, #tpu.memory_space<vmem_shared>>) offsets(%arg19 : memref<32xi32, #tpu.memory_space<vmem>>) semaphore(%run_scoped3A : memref<!tpu.dma_semaphore, #tpu.memory_space<semaphore_mem>>) {add = true}
        %dma_wait3A_159 = arith.constant 0 : i32
        %dma_wait3A_160 = tpu.memref_slice %arg21[%dma_wait3A_159] : memref<128xf32, #tpu.memory_space<vmem>> -> memref<32xf32, #tpu.memory_space<vmem>>
        %dma_wait3A_161 = arith.constant 0 : i32
        %dma_wait3A_162 = tpu.memref_slice %arg12[%dma_wait3A_161] : memref<10000xf32, #tpu.memory_space<vmem_shared>> -> memref<10000xf32, #tpu.memory_space<vmem_shared>>
        tpu.wait_indirect_dma semaphore(%run_scoped3A : memref<!tpu.dma_semaphore, #tpu.memory_space<semaphore_mem>>) src(%dma_wait3A_160 : memref<32xf32, #tpu.memory_space<vmem>>) dst(%dma_wait3A_162 : memref<10000xf32, #tpu.memory_space<vmem_shared>>)
        tpu.yield
      }) : () -> ()
    } else {
    }
    %eq3A_45 = arith.constant 1 : i32
    %eq3A_46 = arith.cmpi eq, %arg0, %eq3A_45 : i32
    %convert_element_type3A_47 = arith.extui %eq3A_46 : i1 to i32
    %cond3A_48 = arith.constant 0 : i32
    %cond3A_49 = arith.cmpi ne, %convert_element_type3A_47, %cond3A_48 : i32
    scf.if %cond3A_49 {
      %add3A_61 = arith.constant 0 : i32
      %add3A_62 = arith.addi %mul3A_2, %add3A_61 : i32
      %dma_wait3A = tpu.memref_slice %arg5[%add3A_62] : memref<320000xi32, #tpu.memory_space<hbm>> -> memref<128xi32, #tpu.memory_space<hbm>>
      %dma_wait3A_63 = tpu.memref_slice %arg5[%add3A_62] : memref<320000xi32, #tpu.memory_space<hbm>> -> memref<128xi32, #tpu.memory_space<hbm>>
      tpu.wait_dma2 semaphore(%arg22 : memref<!tpu.dma_semaphore, #tpu.memory_space<semaphore_mem>>) src(%dma_wait3A_63 : memref<128xi32, #tpu.memory_space<hbm>>) dst(%arg13 : memref<128xi32, #tpu.memory_space<vmem>>)
      %dma_wait3A_64 = arith.constant 0 : i32
      %dma_wait3A_65 = tpu.memref_slice %arg4[%add3A_62, %dma_wait3A_64] : memref<320000x128xf32, #tpu.memory_space<hbm>> -> memref<128x128xf32, #tpu.memory_space<hbm>>
      %dma_wait3A_66 = arith.constant 0 : i32
      %dma_wait3A_67 = tpu.memref_slice %arg4[%add3A_62, %dma_wait3A_66] : memref<320000x128xf32, #tpu.memory_space<hbm>> -> memref<128x128xf32, #tpu.memory_space<hbm>>
      tpu.wait_dma2 semaphore(%arg25 : memref<!tpu.dma_semaphore, #tpu.memory_space<semaphore_mem>>) src(%dma_wait3A_67 : memref<128x128xf32, #tpu.memory_space<hbm>>) dst(%arg16 : memref<128x128xf32, #tpu.memory_space<vmem>>)
      %dma_start3A = arith.constant 0 : i32
      %dma_start3A_68 = arith.constant 0 : i32
      %dma_start3A_69 = tpu.memref_slice %arg11[%dma_start3A, %dma_start3A_68] : memref<10000x128xf32, #tpu.memory_space<vmem_shared>> -> memref<10000x128xf32, #tpu.memory_space<vmem_shared>>
      tpu.enqueue_indirect_dma source(%arg16 : memref<128x128xf32, #tpu.memory_space<vmem>>) target(%dma_start3A_69 : memref<10000x128xf32, #tpu.memory_space<vmem_shared>>) offsets(%arg13 : memref<128xi32, #tpu.memory_space<vmem>>) semaphore(%arg28 : memref<!tpu.dma_semaphore, #tpu.memory_space<semaphore_mem>>) {add = true}
      %dma_start3A_70 = arith.constant 0 : i32
      %dma_start3A_71 = tpu.memref_slice %arg12[%dma_start3A_70] : memref<10000xf32, #tpu.memory_space<vmem_shared>> -> memref<10000xf32, #tpu.memory_space<vmem_shared>>
      tpu.enqueue_indirect_dma source(%arg21 : memref<128xf32, #tpu.memory_space<vmem>>) target(%dma_start3A_71 : memref<10000xf32, #tpu.memory_space<vmem_shared>>) offsets(%arg13 : memref<128xi32, #tpu.memory_space<vmem>>) semaphore(%arg31 : memref<!tpu.dma_semaphore, #tpu.memory_space<semaphore_mem>>) {add = true}
      %add3A_72 = arith.constant 256 : i32
      %add3A_73 = arith.addi %mul3A_2, %add3A_72 : i32
      %dma_start3A_74 = tpu.memref_slice %arg5[%add3A_73] : memref<320000xi32, #tpu.memory_space<hbm>> -> memref<128xi32, #tpu.memory_space<hbm>>
      %dma_start3A_75 = tpu.memref_slice %arg5[%add3A_73] : memref<320000xi32, #tpu.memory_space<hbm>> -> memref<128xi32, #tpu.memory_space<hbm>>
      tpu.enqueue_dma source(%dma_start3A_75 : memref<128xi32, #tpu.memory_space<hbm>>) target(%arg15 : memref<128xi32, #tpu.memory_space<vmem>>) target_semaphore(%arg24 : memref<!tpu.dma_semaphore, #tpu.memory_space<semaphore_mem>>)
      %dma_start3A_76 = arith.constant 0 : i32
      %dma_start3A_77 = tpu.memref_slice %arg4[%add3A_73, %dma_start3A_76] : memref<320000x128xf32, #tpu.memory_space<hbm>> -> memref<128x128xf32, #tpu.memory_space<hbm>>
      %dma_start3A_78 = arith.constant 0 : i32
      %dma_start3A_79 = tpu.memref_slice %arg4[%add3A_73, %dma_start3A_78] : memref<320000x128xf32, #tpu.memory_space<hbm>> -> memref<128x128xf32, #tpu.memory_space<hbm>>
      tpu.enqueue_dma source(%dma_start3A_79 : memref<128x128xf32, #tpu.memory_space<hbm>>) target(%arg18 : memref<128x128xf32, #tpu.memory_space<vmem>>) target_semaphore(%arg27 : memref<!tpu.dma_semaphore, #tpu.memory_space<semaphore_mem>>)
      %add3A_80 = arith.constant 128 : i32
      %add3A_81 = arith.addi %mul3A_2, %add3A_80 : i32
      %dma_wait3A_82 = tpu.memref_slice %arg5[%add3A_81] : memref<320000xi32, #tpu.memory_space<hbm>> -> memref<128xi32, #tpu.memory_space<hbm>>
      %dma_wait3A_83 = tpu.memref_slice %arg5[%add3A_81] : memref<320000xi32, #tpu.memory_space<hbm>> -> memref<128xi32, #tpu.memory_space<hbm>>
      tpu.wait_dma2 semaphore(%arg23 : memref<!tpu.dma_semaphore, #tpu.memory_space<semaphore_mem>>) src(%dma_wait3A_83 : memref<128xi32, #tpu.memory_space<hbm>>) dst(%arg14 : memref<128xi32, #tpu.memory_space<vmem>>)
      %dma_wait3A_84 = arith.constant 0 : i32
      %dma_wait3A_85 = tpu.memref_slice %arg4[%add3A_81, %dma_wait3A_84] : memref<320000x128xf32, #tpu.memory_space<hbm>> -> memref<128x128xf32, #tpu.memory_space<hbm>>
      %dma_wait3A_86 = arith.constant 0 : i32
      %dma_wait3A_87 = tpu.memref_slice %arg4[%add3A_81, %dma_wait3A_86] : memref<320000x128xf32, #tpu.memory_space<hbm>> -> memref<128x128xf32, #tpu.memory_space<hbm>>
      tpu.wait_dma2 semaphore(%arg26 : memref<!tpu.dma_semaphore, #tpu.memory_space<semaphore_mem>>) src(%dma_wait3A_87 : memref<128x128xf32, #tpu.memory_space<hbm>>) dst(%arg17 : memref<128x128xf32, #tpu.memory_space<vmem>>)
      %dma_start3A_88 = arith.constant 0 : i32
      %dma_start3A_89 = arith.constant 0 : i32
      %dma_start3A_90 = tpu.memref_slice %arg11[%dma_start3A_88, %dma_start3A_89] : memref<10000x128xf32, #tpu.memory_space<vmem_shared>> -> memref<10000x128xf32, #tpu.memory_space<vmem_shared>>
      tpu.enqueue_indirect_dma source(%arg17 : memref<128x128xf32, #tpu.memory_space<vmem>>) target(%dma_start3A_90 : memref<10000x128xf32, #tpu.memory_space<vmem_shared>>) offsets(%arg14 : memref<128xi32, #tpu.memory_space<vmem>>) semaphore(%arg29 : memref<!tpu.dma_semaphore, #tpu.memory_space<semaphore_mem>>) {add = true}
      %dma_start3A_91 = arith.constant 0 : i32
      %dma_start3A_92 = tpu.memref_slice %arg12[%dma_start3A_91] : memref<10000xf32, #tpu.memory_space<vmem_shared>> -> memref<10000xf32, #tpu.memory_space<vmem_shared>>
      tpu.enqueue_indirect_dma source(%arg21 : memref<128xf32, #tpu.memory_space<vmem>>) target(%dma_start3A_92 : memref<10000xf32, #tpu.memory_space<vmem_shared>>) offsets(%arg14 : memref<128xi32, #tpu.memory_space<vmem>>) semaphore(%arg32 : memref<!tpu.dma_semaphore, #tpu.memory_space<semaphore_mem>>) {add = true}
      %dma_wait3A_93 = arith.constant 0 : i32
      %dma_wait3A_94 = arith.constant 0 : i32
      %dma_wait3A_95 = tpu.memref_slice %arg11[%dma_wait3A_93, %dma_wait3A_94] : memref<10000x128xf32, #tpu.memory_space<vmem_shared>> -> memref<10000x128xf32, #tpu.memory_space<vmem_shared>>
      tpu.wait_indirect_dma semaphore(%arg28 : memref<!tpu.dma_semaphore, #tpu.memory_space<semaphore_mem>>) src(%arg16 : memref<128x128xf32, #tpu.memory_space<vmem>>) dst(%dma_wait3A_95 : memref<10000x128xf32, #tpu.memory_space<vmem_shared>>)
      %dma_wait3A_96 = arith.constant 0 : i32
      %dma_wait3A_97 = tpu.memref_slice %arg12[%dma_wait3A_96] : memref<10000xf32, #tpu.memory_space<vmem_shared>> -> memref<10000xf32, #tpu.memory_space<vmem_shared>>
      tpu.wait_indirect_dma semaphore(%arg31 : memref<!tpu.dma_semaphore, #tpu.memory_space<semaphore_mem>>) src(%arg21 : memref<128xf32, #tpu.memory_space<vmem>>) dst(%dma_wait3A_97 : memref<10000xf32, #tpu.memory_space<vmem_shared>>)
      %add3A_98 = arith.constant 384 : i32
      %add3A_99 = arith.addi %mul3A_2, %add3A_98 : i32
      %dma_start3A_100 = tpu.memref_slice %arg5[%add3A_99] : memref<320000xi32, #tpu.memory_space<hbm>> -> memref<128xi32, #tpu.memory_space<hbm>>
      %dma_start3A_101 = tpu.memref_slice %arg5[%add3A_99] : memref<320000xi32, #tpu.memory_space<hbm>> -> memref<128xi32, #tpu.memory_space<hbm>>
      tpu.enqueue_dma source(%dma_start3A_101 : memref<128xi32, #tpu.memory_space<hbm>>) target(%arg13 : memref<128xi32, #tpu.memory_space<vmem>>) target_semaphore(%arg22 : memref<!tpu.dma_semaphore, #tpu.memory_space<semaphore_mem>>)
      %dma_start3A_102 = arith.constant 0 : i32
      %dma_start3A_103 = tpu.memref_slice %arg4[%add3A_99, %dma_start3A_102] : memref<320000x128xf32, #tpu.memory_space<hbm>> -> memref<128x128xf32, #tpu.memory_space<hbm>>
      %dma_start3A_104 = arith.constant 0 : i32
      %dma_start3A_105 = tpu.memref_slice %arg4[%add3A_99, %dma_start3A_104] : memref<320000x128xf32, #tpu.memory_space<hbm>> -> memref<128x128xf32, #tpu.memory_space<hbm>>
      tpu.enqueue_dma source(%dma_start3A_105 : memref<128x128xf32, #tpu.memory_space<hbm>>) target(%arg16 : memref<128x128xf32, #tpu.memory_space<vmem>>) target_semaphore(%arg25 : memref<!tpu.dma_semaphore, #tpu.memory_space<semaphore_mem>>)
      %add3A_106 = arith.constant 256 : i32
      %add3A_107 = arith.addi %mul3A_2, %add3A_106 : i32
      %dma_wait3A_108 = tpu.memref_slice %arg5[%add3A_107] : memref<320000xi32, #tpu.memory_space<hbm>> -> memref<128xi32, #tpu.memory_space<hbm>>
      %dma_wait3A_109 = tpu.memref_slice %arg5[%add3A_107] : memref<320000xi32, #tpu.memory_space<hbm>> -> memref<128xi32, #tpu.memory_space<hbm>>
      tpu.wait_dma2 semaphore(%arg24 : memref<!tpu.dma_semaphore, #tpu.memory_space<semaphore_mem>>) src(%dma_wait3A_109 : memref<128xi32, #tpu.memory_space<hbm>>) dst(%arg15 : memref<128xi32, #tpu.memory_space<vmem>>)
      %dma_wait3A_110 = arith.constant 0 : i32
      %dma_wait3A_111 = tpu.memref_slice %arg4[%add3A_107, %dma_wait3A_110] : memref<320000x128xf32, #tpu.memory_space<hbm>> -> memref<128x128xf32, #tpu.memory_space<hbm>>
      %dma_wait3A_112 = arith.constant 0 : i32
      %dma_wait3A_113 = tpu.memref_slice %arg4[%add3A_107, %dma_wait3A_112] : memref<320000x128xf32, #tpu.memory_space<hbm>> -> memref<128x128xf32, #tpu.memory_space<hbm>>
      tpu.wait_dma2 semaphore(%arg27 : memref<!tpu.dma_semaphore, #tpu.memory_space<semaphore_mem>>) src(%dma_wait3A_113 : memref<128x128xf32, #tpu.memory_space<hbm>>) dst(%arg18 : memref<128x128xf32, #tpu.memory_space<vmem>>)
      %dma_start3A_114 = arith.constant 0 : i32
      %dma_start3A_115 = arith.constant 0 : i32
      %dma_start3A_116 = tpu.memref_slice %arg11[%dma_start3A_114, %dma_start3A_115] : memref<10000x128xf32, #tpu.memory_space<vmem_shared>> -> memref<10000x128xf32, #tpu.memory_space<vmem_shared>>
      tpu.enqueue_indirect_dma source(%arg18 : memref<128x128xf32, #tpu.memory_space<vmem>>) target(%dma_start3A_116 : memref<10000x128xf32, #tpu.memory_space<vmem_shared>>) offsets(%arg15 : memref<128xi32, #tpu.memory_space<vmem>>) semaphore(%arg30 : memref<!tpu.dma_semaphore, #tpu.memory_space<semaphore_mem>>) {add = true}
      %dma_start3A_117 = arith.constant 0 : i32
      %dma_start3A_118 = tpu.memref_slice %arg12[%dma_start3A_117] : memref<10000xf32, #tpu.memory_space<vmem_shared>> -> memref<10000xf32, #tpu.memory_space<vmem_shared>>
      tpu.enqueue_indirect_dma source(%arg21 : memref<128xf32, #tpu.memory_space<vmem>>) target(%dma_start3A_118 : memref<10000xf32, #tpu.memory_space<vmem_shared>>) offsets(%arg15 : memref<128xi32, #tpu.memory_space<vmem>>) semaphore(%arg33 : memref<!tpu.dma_semaphore, #tpu.memory_space<semaphore_mem>>) {add = true}
      %dma_wait3A_119 = arith.constant 0 : i32
      %dma_wait3A_120 = arith.constant 0 : i32
      %dma_wait3A_121 = tpu.memref_slice %arg11[%dma_wait3A_119, %dma_wait3A_120] : memref<10000x128xf32, #tpu.memory_space<vmem_shared>> -> memref<10000x128xf32, #tpu.memory_space<vmem_shared>>
      tpu.wait_indirect_dma semaphore(%arg29 : memref<!tpu.dma_semaphore, #tpu.memory_space<semaphore_mem>>) src(%arg17 : memref<128x128xf32, #tpu.memory_space<vmem>>) dst(%dma_wait3A_121 : memref<10000x128xf32, #tpu.memory_space<vmem_shared>>)
      %dma_wait3A_122 = arith.constant 0 : i32
      %dma_wait3A_123 = tpu.memref_slice %arg12[%dma_wait3A_122] : memref<10000xf32, #tpu.memory_space<vmem_shared>> -> memref<10000xf32, #tpu.memory_space<vmem_shared>>
      tpu.wait_indirect_dma semaphore(%arg32 : memref<!tpu.dma_semaphore, #tpu.memory_space<semaphore_mem>>) src(%arg21 : memref<128xf32, #tpu.memory_space<vmem>>) dst(%dma_wait3A_123 : memref<10000xf32, #tpu.memory_space<vmem_shared>>)
      %add3A_124 = arith.constant 512 : i32
      %add3A_125 = arith.addi %mul3A_2, %add3A_124 : i32
      %dma_start3A_126 = tpu.memref_slice %arg5[%add3A_125] : memref<320000xi32, #tpu.memory_space<hbm>> -> memref<128xi32, #tpu.memory_space<hbm>>
      %dma_start3A_127 = tpu.memref_slice %arg5[%add3A_125] : memref<320000xi32, #tpu.memory_space<hbm>> -> memref<128xi32, #tpu.memory_space<hbm>>
      tpu.enqueue_dma source(%dma_start3A_127 : memref<128xi32, #tpu.memory_space<hbm>>) target(%arg14 : memref<128xi32, #tpu.memory_space<vmem>>) target_semaphore(%arg23 : memref<!tpu.dma_semaphore, #tpu.memory_space<semaphore_mem>>)
      %dma_start3A_128 = arith.constant 0 : i32
      %dma_start3A_129 = tpu.memref_slice %arg4[%add3A_125, %dma_start3A_128] : memref<320000x128xf32, #tpu.memory_space<hbm>> -> memref<128x128xf32, #tpu.memory_space<hbm>>
      %dma_start3A_130 = arith.constant 0 : i32
      %dma_start3A_131 = tpu.memref_slice %arg4[%add3A_125, %dma_start3A_130] : memref<320000x128xf32, #tpu.memory_space<hbm>> -> memref<128x128xf32, #tpu.memory_space<hbm>>
      tpu.enqueue_dma source(%dma_start3A_131 : memref<128x128xf32, #tpu.memory_space<hbm>>) target(%arg17 : memref<128x128xf32, #tpu.memory_space<vmem>>) target_semaphore(%arg26 : memref<!tpu.dma_semaphore, #tpu.memory_space<semaphore_mem>>)
      %scan3A_132 = arith.constant 0 : i32
      %scan3A_133 = arith.constant 1 : i32
      %scan3A_134 = arith.constant 51 : i32
      %scan3A_135 = arith.addi %scan3A_133, %scan3A_134 : i32
      %scan3A_136 = arith.constant 1 : i32
      scf.for %scan3A_155 = %scan3A_133 to %scan3A_135 step %scan3A_136  : i32 {
        %mul3A_156 = arith.constant 3 : i32
        %mul3A_157 = arith.muli %mul3A_156, %scan3A_155 : i32
        %add3A_158 = arith.constant 0 : i32
        %add3A_159 = arith.addi %mul3A_157, %add3A_158 : i32
        %mul3A_160 = arith.constant 128 : i32
        %mul3A_161 = arith.muli %add3A_159, %mul3A_160 : i32
        %add3A_162 = arith.addi %mul3A_2, %mul3A_161 : i32
        %dma_wait3A_163 = tpu.memref_slice %arg5[%add3A_162] : memref<320000xi32, #tpu.memory_space<hbm>> -> memref<128xi32, #tpu.memory_space<hbm>>
        %dma_wait3A_164 = tpu.memref_slice %arg5[%add3A_162] : memref<320000xi32, #tpu.memory_space<hbm>> -> memref<128xi32, #tpu.memory_space<hbm>>
        tpu.wait_dma2 semaphore(%arg22 : memref<!tpu.dma_semaphore, #tpu.memory_space<semaphore_mem>>) src(%dma_wait3A_164 : memref<128xi32, #tpu.memory_space<hbm>>) dst(%arg13 : memref<128xi32, #tpu.memory_space<vmem>>)
        %dma_wait3A_165 = arith.constant 0 : i32
        %dma_wait3A_166 = tpu.memref_slice %arg4[%add3A_162, %dma_wait3A_165] : memref<320000x128xf32, #tpu.memory_space<hbm>> -> memref<128x128xf32, #tpu.memory_space<hbm>>
        %dma_wait3A_167 = arith.constant 0 : i32
        %dma_wait3A_168 = tpu.memref_slice %arg4[%add3A_162, %dma_wait3A_167] : memref<320000x128xf32, #tpu.memory_space<hbm>> -> memref<128x128xf32, #tpu.memory_space<hbm>>
        tpu.wait_dma2 semaphore(%arg25 : memref<!tpu.dma_semaphore, #tpu.memory_space<semaphore_mem>>) src(%dma_wait3A_168 : memref<128x128xf32, #tpu.memory_space<hbm>>) dst(%arg16 : memref<128x128xf32, #tpu.memory_space<vmem>>)
        %dma_start3A_169 = arith.constant 0 : i32
        %dma_start3A_170 = arith.constant 0 : i32
        %dma_start3A_171 = tpu.memref_slice %arg11[%dma_start3A_169, %dma_start3A_170] : memref<10000x128xf32, #tpu.memory_space<vmem_shared>> -> memref<10000x128xf32, #tpu.memory_space<vmem_shared>>
        tpu.enqueue_indirect_dma source(%arg16 : memref<128x128xf32, #tpu.memory_space<vmem>>) target(%dma_start3A_171 : memref<10000x128xf32, #tpu.memory_space<vmem_shared>>) offsets(%arg13 : memref<128xi32, #tpu.memory_space<vmem>>) semaphore(%arg28 : memref<!tpu.dma_semaphore, #tpu.memory_space<semaphore_mem>>) {add = true}
        %dma_start3A_172 = arith.constant 0 : i32
        %dma_start3A_173 = tpu.memref_slice %arg12[%dma_start3A_172] : memref<10000xf32, #tpu.memory_space<vmem_shared>> -> memref<10000xf32, #tpu.memory_space<vmem_shared>>
        tpu.enqueue_indirect_dma source(%arg21 : memref<128xf32, #tpu.memory_space<vmem>>) target(%dma_start3A_173 : memref<10000xf32, #tpu.memory_space<vmem_shared>>) offsets(%arg13 : memref<128xi32, #tpu.memory_space<vmem>>) semaphore(%arg31 : memref<!tpu.dma_semaphore, #tpu.memory_space<semaphore_mem>>) {add = true}
        %add3A_174 = arith.constant 3 : i32
        %add3A_175 = arith.addi %add3A_159, %add3A_174 : i32
        %sub3A = arith.constant 1 : i32
        %sub3A_176 = arith.subi %add3A_175, %sub3A : i32
        %lt3A = arith.constant 156 : i32
        %lt3A_177 = arith.cmpi slt, %sub3A_176, %lt3A : i32
        %convert_element_type3A_178 = arith.extui %lt3A_177 : i1 to i32
        %cond3A_179 = arith.constant 0 : i32
        %cond3A_180 = arith.cmpi ne, %convert_element_type3A_178, %cond3A_179 : i32
        scf.if %cond3A_180 {
          %dma_wait3A_235 = arith.constant 0 : i32
          %dma_wait3A_236 = arith.constant 0 : i32
          %dma_wait3A_237 = tpu.memref_slice %arg11[%dma_wait3A_235, %dma_wait3A_236] : memref<10000x128xf32, #tpu.memory_space<vmem_shared>> -> memref<10000x128xf32, #tpu.memory_space<vmem_shared>>
          tpu.wait_indirect_dma semaphore(%arg30 : memref<!tpu.dma_semaphore, #tpu.memory_space<semaphore_mem>>) src(%arg18 : memref<128x128xf32, #tpu.memory_space<vmem>>) dst(%dma_wait3A_237 : memref<10000x128xf32, #tpu.memory_space<vmem_shared>>)
          %dma_wait3A_238 = arith.constant 0 : i32
          %dma_wait3A_239 = tpu.memref_slice %arg12[%dma_wait3A_238] : memref<10000xf32, #tpu.memory_space<vmem_shared>> -> memref<10000xf32, #tpu.memory_space<vmem_shared>>
          tpu.wait_indirect_dma semaphore(%arg33 : memref<!tpu.dma_semaphore, #tpu.memory_space<semaphore_mem>>) src(%arg21 : memref<128xf32, #tpu.memory_space<vmem>>) dst(%dma_wait3A_239 : memref<10000xf32, #tpu.memory_space<vmem_shared>>)
          %mul3A_240 = arith.constant 128 : i32
          %mul3A_241 = arith.muli %sub3A_176, %mul3A_240 : i32
          %add3A_242 = arith.addi %mul3A_2, %mul3A_241 : i32
          %dma_start3A_243 = tpu.memref_slice %arg5[%add3A_242] : memref<320000xi32, #tpu.memory_space<hbm>> -> memref<128xi32, #tpu.memory_space<hbm>>
          %dma_start3A_244 = tpu.memref_slice %arg5[%add3A_242] : memref<320000xi32, #tpu.memory_space<hbm>> -> memref<128xi32, #tpu.memory_space<hbm>>
          tpu.enqueue_dma source(%dma_start3A_244 : memref<128xi32, #tpu.memory_space<hbm>>) target(%arg15 : memref<128xi32, #tpu.memory_space<vmem>>) target_semaphore(%arg24 : memref<!tpu.dma_semaphore, #tpu.memory_space<semaphore_mem>>)
          %dma_start3A_245 = arith.constant 0 : i32
          %dma_start3A_246 = tpu.memref_slice %arg4[%add3A_242, %dma_start3A_245] : memref<320000x128xf32, #tpu.memory_space<hbm>> -> memref<128x128xf32, #tpu.memory_space<hbm>>
          %dma_start3A_247 = arith.constant 0 : i32
          %dma_start3A_248 = tpu.memref_slice %arg4[%add3A_242, %dma_start3A_247] : memref<320000x128xf32, #tpu.memory_space<hbm>> -> memref<128x128xf32, #tpu.memory_space<hbm>>
          tpu.enqueue_dma source(%dma_start3A_248 : memref<128x128xf32, #tpu.memory_space<hbm>>) target(%arg18 : memref<128x128xf32, #tpu.memory_space<vmem>>) target_semaphore(%arg27 : memref<!tpu.dma_semaphore, #tpu.memory_space<semaphore_mem>>)
        } else {
        }
        %mul3A_181 = arith.constant 3 : i32
        %mul3A_182 = arith.muli %mul3A_181, %scan3A_155 : i32
        %add3A_183 = arith.constant 1 : i32
        %add3A_184 = arith.addi %mul3A_182, %add3A_183 : i32
        %mul3A_185 = arith.constant 128 : i32
        %mul3A_186 = arith.muli %add3A_184, %mul3A_185 : i32
        %add3A_187 = arith.addi %mul3A_2, %mul3A_186 : i32
        %dma_wait3A_188 = tpu.memref_slice %arg5[%add3A_187] : memref<320000xi32, #tpu.memory_space<hbm>> -> memref<128xi32, #tpu.memory_space<hbm>>
        %dma_wait3A_189 = tpu.memref_slice %arg5[%add3A_187] : memref<320000xi32, #tpu.memory_space<hbm>> -> memref<128xi32, #tpu.memory_space<hbm>>
        tpu.wait_dma2 semaphore(%arg23 : memref<!tpu.dma_semaphore, #tpu.memory_space<semaphore_mem>>) src(%dma_wait3A_189 : memref<128xi32, #tpu.memory_space<hbm>>) dst(%arg14 : memref<128xi32, #tpu.memory_space<vmem>>)
        %dma_wait3A_190 = arith.constant 0 : i32
        %dma_wait3A_191 = tpu.memref_slice %arg4[%add3A_187, %dma_wait3A_190] : memref<320000x128xf32, #tpu.memory_space<hbm>> -> memref<128x128xf32, #tpu.memory_space<hbm>>
        %dma_wait3A_192 = arith.constant 0 : i32
        %dma_wait3A_193 = tpu.memref_slice %arg4[%add3A_187, %dma_wait3A_192] : memref<320000x128xf32, #tpu.memory_space<hbm>> -> memref<128x128xf32, #tpu.memory_space<hbm>>
        tpu.wait_dma2 semaphore(%arg26 : memref<!tpu.dma_semaphore, #tpu.memory_space<semaphore_mem>>) src(%dma_wait3A_193 : memref<128x128xf32, #tpu.memory_space<hbm>>) dst(%arg17 : memref<128x128xf32, #tpu.memory_space<vmem>>)
        %dma_start3A_194 = arith.constant 0 : i32
        %dma_start3A_195 = arith.constant 0 : i32
        %dma_start3A_196 = tpu.memref_slice %arg11[%dma_start3A_194, %dma_start3A_195] : memref<10000x128xf32, #tpu.memory_space<vmem_shared>> -> memref<10000x128xf32, #tpu.memory_space<vmem_shared>>
        tpu.enqueue_indirect_dma source(%arg17 : memref<128x128xf32, #tpu.memory_space<vmem>>) target(%dma_start3A_196 : memref<10000x128xf32, #tpu.memory_space<vmem_shared>>) offsets(%arg14 : memref<128xi32, #tpu.memory_space<vmem>>) semaphore(%arg29 : memref<!tpu.dma_semaphore, #tpu.memory_space<semaphore_mem>>) {add = true}
        %dma_start3A_197 = arith.constant 0 : i32
        %dma_start3A_198 = tpu.memref_slice %arg12[%dma_start3A_197] : memref<10000xf32, #tpu.memory_space<vmem_shared>> -> memref<10000xf32, #tpu.memory_space<vmem_shared>>
        tpu.enqueue_indirect_dma source(%arg21 : memref<128xf32, #tpu.memory_space<vmem>>) target(%dma_start3A_198 : memref<10000xf32, #tpu.memory_space<vmem_shared>>) offsets(%arg14 : memref<128xi32, #tpu.memory_space<vmem>>) semaphore(%arg32 : memref<!tpu.dma_semaphore, #tpu.memory_space<semaphore_mem>>) {add = true}
        %add3A_199 = arith.constant 3 : i32
        %add3A_200 = arith.addi %add3A_184, %add3A_199 : i32
        %sub3A_201 = arith.constant 1 : i32
        %sub3A_202 = arith.subi %add3A_200, %sub3A_201 : i32
        %lt3A_203 = arith.constant 156 : i32
        %lt3A_204 = arith.cmpi slt, %sub3A_202, %lt3A_203 : i32
        %convert_element_type3A_205 = arith.extui %lt3A_204 : i1 to i32
        %cond3A_206 = arith.constant 0 : i32
        %cond3A_207 = arith.cmpi ne, %convert_element_type3A_205, %cond3A_206 : i32
        scf.if %cond3A_207 {
          %dma_wait3A_235 = arith.constant 0 : i32
          %dma_wait3A_236 = arith.constant 0 : i32
          %dma_wait3A_237 = tpu.memref_slice %arg11[%dma_wait3A_235, %dma_wait3A_236] : memref<10000x128xf32, #tpu.memory_space<vmem_shared>> -> memref<10000x128xf32, #tpu.memory_space<vmem_shared>>
          tpu.wait_indirect_dma semaphore(%arg28 : memref<!tpu.dma_semaphore, #tpu.memory_space<semaphore_mem>>) src(%arg16 : memref<128x128xf32, #tpu.memory_space<vmem>>) dst(%dma_wait3A_237 : memref<10000x128xf32, #tpu.memory_space<vmem_shared>>)
          %dma_wait3A_238 = arith.constant 0 : i32
          %dma_wait3A_239 = tpu.memref_slice %arg12[%dma_wait3A_238] : memref<10000xf32, #tpu.memory_space<vmem_shared>> -> memref<10000xf32, #tpu.memory_space<vmem_shared>>
          tpu.wait_indirect_dma semaphore(%arg31 : memref<!tpu.dma_semaphore, #tpu.memory_space<semaphore_mem>>) src(%arg21 : memref<128xf32, #tpu.memory_space<vmem>>) dst(%dma_wait3A_239 : memref<10000xf32, #tpu.memory_space<vmem_shared>>)
          %mul3A_240 = arith.constant 128 : i32
          %mul3A_241 = arith.muli %sub3A_202, %mul3A_240 : i32
          %add3A_242 = arith.addi %mul3A_2, %mul3A_241 : i32
          %dma_start3A_243 = tpu.memref_slice %arg5[%add3A_242] : memref<320000xi32, #tpu.memory_space<hbm>> -> memref<128xi32, #tpu.memory_space<hbm>>
          %dma_start3A_244 = tpu.memref_slice %arg5[%add3A_242] : memref<320000xi32, #tpu.memory_space<hbm>> -> memref<128xi32, #tpu.memory_space<hbm>>
          tpu.enqueue_dma source(%dma_start3A_244 : memref<128xi32, #tpu.memory_space<hbm>>) target(%arg13 : memref<128xi32, #tpu.memory_space<vmem>>) target_semaphore(%arg22 : memref<!tpu.dma_semaphore, #tpu.memory_space<semaphore_mem>>)
          %dma_start3A_245 = arith.constant 0 : i32
          %dma_start3A_246 = tpu.memref_slice %arg4[%add3A_242, %dma_start3A_245] : memref<320000x128xf32, #tpu.memory_space<hbm>> -> memref<128x128xf32, #tpu.memory_space<hbm>>
          %dma_start3A_247 = arith.constant 0 : i32
          %dma_start3A_248 = tpu.memref_slice %arg4[%add3A_242, %dma_start3A_247] : memref<320000x128xf32, #tpu.memory_space<hbm>> -> memref<128x128xf32, #tpu.memory_space<hbm>>
          tpu.enqueue_dma source(%dma_start3A_248 : memref<128x128xf32, #tpu.memory_space<hbm>>) target(%arg16 : memref<128x128xf32, #tpu.memory_space<vmem>>) target_semaphore(%arg25 : memref<!tpu.dma_semaphore, #tpu.memory_space<semaphore_mem>>)
        } else {
        }
        %mul3A_208 = arith.constant 3 : i32
        %mul3A_209 = arith.muli %mul3A_208, %scan3A_155 : i32
        %add3A_210 = arith.constant 2 : i32
        %add3A_211 = arith.addi %mul3A_209, %add3A_210 : i32
        %mul3A_212 = arith.constant 128 : i32
        %mul3A_213 = arith.muli %add3A_211, %mul3A_212 : i32
        %add3A_214 = arith.addi %mul3A_2, %mul3A_213 : i32
        %dma_wait3A_215 = tpu.memref_slice %arg5[%add3A_214] : memref<320000xi32, #tpu.memory_space<hbm>> -> memref<128xi32, #tpu.memory_space<hbm>>
        %dma_wait3A_216 = tpu.memref_slice %arg5[%add3A_214] : memref<320000xi32, #tpu.memory_space<hbm>> -> memref<128xi32, #tpu.memory_space<hbm>>
        tpu.wait_dma2 semaphore(%arg24 : memref<!tpu.dma_semaphore, #tpu.memory_space<semaphore_mem>>) src(%dma_wait3A_216 : memref<128xi32, #tpu.memory_space<hbm>>) dst(%arg15 : memref<128xi32, #tpu.memory_space<vmem>>)
        %dma_wait3A_217 = arith.constant 0 : i32
        %dma_wait3A_218 = tpu.memref_slice %arg4[%add3A_214, %dma_wait3A_217] : memref<320000x128xf32, #tpu.memory_space<hbm>> -> memref<128x128xf32, #tpu.memory_space<hbm>>
        %dma_wait3A_219 = arith.constant 0 : i32
        %dma_wait3A_220 = tpu.memref_slice %arg4[%add3A_214, %dma_wait3A_219] : memref<320000x128xf32, #tpu.memory_space<hbm>> -> memref<128x128xf32, #tpu.memory_space<hbm>>
        tpu.wait_dma2 semaphore(%arg27 : memref<!tpu.dma_semaphore, #tpu.memory_space<semaphore_mem>>) src(%dma_wait3A_220 : memref<128x128xf32, #tpu.memory_space<hbm>>) dst(%arg18 : memref<128x128xf32, #tpu.memory_space<vmem>>)
        %dma_start3A_221 = arith.constant 0 : i32
        %dma_start3A_222 = arith.constant 0 : i32
        %dma_start3A_223 = tpu.memref_slice %arg11[%dma_start3A_221, %dma_start3A_222] : memref<10000x128xf32, #tpu.memory_space<vmem_shared>> -> memref<10000x128xf32, #tpu.memory_space<vmem_shared>>
        tpu.enqueue_indirect_dma source(%arg18 : memref<128x128xf32, #tpu.memory_space<vmem>>) target(%dma_start3A_223 : memref<10000x128xf32, #tpu.memory_space<vmem_shared>>) offsets(%arg15 : memref<128xi32, #tpu.memory_space<vmem>>) semaphore(%arg30 : memref<!tpu.dma_semaphore, #tpu.memory_space<semaphore_mem>>) {add = true}
        %dma_start3A_224 = arith.constant 0 : i32
        %dma_start3A_225 = tpu.memref_slice %arg12[%dma_start3A_224] : memref<10000xf32, #tpu.memory_space<vmem_shared>> -> memref<10000xf32, #tpu.memory_space<vmem_shared>>
        tpu.enqueue_indirect_dma source(%arg21 : memref<128xf32, #tpu.memory_space<vmem>>) target(%dma_start3A_225 : memref<10000xf32, #tpu.memory_space<vmem_shared>>) offsets(%arg15 : memref<128xi32, #tpu.memory_space<vmem>>) semaphore(%arg33 : memref<!tpu.dma_semaphore, #tpu.memory_space<semaphore_mem>>) {add = true}
        %add3A_226 = arith.constant 3 : i32
        %add3A_227 = arith.addi %add3A_211, %add3A_226 : i32
        %sub3A_228 = arith.constant 1 : i32
        %sub3A_229 = arith.subi %add3A_227, %sub3A_228 : i32
        %lt3A_230 = arith.constant 156 : i32
        %lt3A_231 = arith.cmpi slt, %sub3A_229, %lt3A_230 : i32
        %convert_element_type3A_232 = arith.extui %lt3A_231 : i1 to i32
        %cond3A_233 = arith.constant 0 : i32
        %cond3A_234 = arith.cmpi ne, %convert_element_type3A_232, %cond3A_233 : i32
        scf.if %cond3A_234 {
          %dma_wait3A_235 = arith.constant 0 : i32
          %dma_wait3A_236 = arith.constant 0 : i32
          %dma_wait3A_237 = tpu.memref_slice %arg11[%dma_wait3A_235, %dma_wait3A_236] : memref<10000x128xf32, #tpu.memory_space<vmem_shared>> -> memref<10000x128xf32, #tpu.memory_space<vmem_shared>>
          tpu.wait_indirect_dma semaphore(%arg29 : memref<!tpu.dma_semaphore, #tpu.memory_space<semaphore_mem>>) src(%arg17 : memref<128x128xf32, #tpu.memory_space<vmem>>) dst(%dma_wait3A_237 : memref<10000x128xf32, #tpu.memory_space<vmem_shared>>)
          %dma_wait3A_238 = arith.constant 0 : i32
          %dma_wait3A_239 = tpu.memref_slice %arg12[%dma_wait3A_238] : memref<10000xf32, #tpu.memory_space<vmem_shared>> -> memref<10000xf32, #tpu.memory_space<vmem_shared>>
          tpu.wait_indirect_dma semaphore(%arg32 : memref<!tpu.dma_semaphore, #tpu.memory_space<semaphore_mem>>) src(%arg21 : memref<128xf32, #tpu.memory_space<vmem>>) dst(%dma_wait3A_239 : memref<10000xf32, #tpu.memory_space<vmem_shared>>)
          %mul3A_240 = arith.constant 128 : i32
          %mul3A_241 = arith.muli %sub3A_229, %mul3A_240 : i32
          %add3A_242 = arith.addi %mul3A_2, %mul3A_241 : i32
          %dma_start3A_243 = tpu.memref_slice %arg5[%add3A_242] : memref<320000xi32, #tpu.memory_space<hbm>> -> memref<128xi32, #tpu.memory_space<hbm>>
          %dma_start3A_244 = tpu.memref_slice %arg5[%add3A_242] : memref<320000xi32, #tpu.memory_space<hbm>> -> memref<128xi32, #tpu.memory_space<hbm>>
          tpu.enqueue_dma source(%dma_start3A_244 : memref<128xi32, #tpu.memory_space<hbm>>) target(%arg14 : memref<128xi32, #tpu.memory_space<vmem>>) target_semaphore(%arg23 : memref<!tpu.dma_semaphore, #tpu.memory_space<semaphore_mem>>)
          %dma_start3A_245 = arith.constant 0 : i32
          %dma_start3A_246 = tpu.memref_slice %arg4[%add3A_242, %dma_start3A_245] : memref<320000x128xf32, #tpu.memory_space<hbm>> -> memref<128x128xf32, #tpu.memory_space<hbm>>
          %dma_start3A_247 = arith.constant 0 : i32
          %dma_start3A_248 = tpu.memref_slice %arg4[%add3A_242, %dma_start3A_247] : memref<320000x128xf32, #tpu.memory_space<hbm>> -> memref<128x128xf32, #tpu.memory_space<hbm>>
          tpu.enqueue_dma source(%dma_start3A_248 : memref<128x128xf32, #tpu.memory_space<hbm>>) target(%arg17 : memref<128x128xf32, #tpu.memory_space<vmem>>) target_semaphore(%arg26 : memref<!tpu.dma_semaphore, #tpu.memory_space<semaphore_mem>>)
        } else {
        }
      }
      %scan3A_137 = arith.constant 51 : i32
      %dma_wait3A_138 = arith.constant 0 : i32
      %dma_wait3A_139 = arith.constant 0 : i32
      %dma_wait3A_140 = tpu.memref_slice %arg11[%dma_wait3A_138, %dma_wait3A_139] : memref<10000x128xf32, #tpu.memory_space<vmem_shared>> -> memref<10000x128xf32, #tpu.memory_space<vmem_shared>>
      tpu.wait_indirect_dma semaphore(%arg28 : memref<!tpu.dma_semaphore, #tpu.memory_space<semaphore_mem>>) src(%arg16 : memref<128x128xf32, #tpu.memory_space<vmem>>) dst(%dma_wait3A_140 : memref<10000x128xf32, #tpu.memory_space<vmem_shared>>)
      %dma_wait3A_141 = arith.constant 0 : i32
      %dma_wait3A_142 = tpu.memref_slice %arg12[%dma_wait3A_141] : memref<10000xf32, #tpu.memory_space<vmem_shared>> -> memref<10000xf32, #tpu.memory_space<vmem_shared>>
      tpu.wait_indirect_dma semaphore(%arg31 : memref<!tpu.dma_semaphore, #tpu.memory_space<semaphore_mem>>) src(%arg21 : memref<128xf32, #tpu.memory_space<vmem>>) dst(%dma_wait3A_142 : memref<10000xf32, #tpu.memory_space<vmem_shared>>)
      %dma_wait3A_143 = arith.constant 0 : i32
      %dma_wait3A_144 = arith.constant 0 : i32
      %dma_wait3A_145 = tpu.memref_slice %arg11[%dma_wait3A_143, %dma_wait3A_144] : memref<10000x128xf32, #tpu.memory_space<vmem_shared>> -> memref<10000x128xf32, #tpu.memory_space<vmem_shared>>
      tpu.wait_indirect_dma semaphore(%arg29 : memref<!tpu.dma_semaphore, #tpu.memory_space<semaphore_mem>>) src(%arg17 : memref<128x128xf32, #tpu.memory_space<vmem>>) dst(%dma_wait3A_145 : memref<10000x128xf32, #tpu.memory_space<vmem_shared>>)
      %dma_wait3A_146 = arith.constant 0 : i32
      %dma_wait3A_147 = tpu.memref_slice %arg12[%dma_wait3A_146] : memref<10000xf32, #tpu.memory_space<vmem_shared>> -> memref<10000xf32, #tpu.memory_space<vmem_shared>>
      tpu.wait_indirect_dma semaphore(%arg32 : memref<!tpu.dma_semaphore, #tpu.memory_space<semaphore_mem>>) src(%arg21 : memref<128xf32, #tpu.memory_space<vmem>>) dst(%dma_wait3A_147 : memref<10000xf32, #tpu.memory_space<vmem_shared>>)
      %dma_wait3A_148 = arith.constant 0 : i32
      %dma_wait3A_149 = arith.constant 0 : i32
      %dma_wait3A_150 = tpu.memref_slice %arg11[%dma_wait3A_148, %dma_wait3A_149] : memref<10000x128xf32, #tpu.memory_space<vmem_shared>> -> memref<10000x128xf32, #tpu.memory_space<vmem_shared>>
      tpu.wait_indirect_dma semaphore(%arg30 : memref<!tpu.dma_semaphore, #tpu.memory_space<semaphore_mem>>) src(%arg18 : memref<128x128xf32, #tpu.memory_space<vmem>>) dst(%dma_wait3A_150 : memref<10000x128xf32, #tpu.memory_space<vmem_shared>>)
      %dma_wait3A_151 = arith.constant 0 : i32
      %dma_wait3A_152 = tpu.memref_slice %arg12[%dma_wait3A_151] : memref<10000xf32, #tpu.memory_space<vmem_shared>> -> memref<10000xf32, #tpu.memory_space<vmem_shared>>
      tpu.wait_indirect_dma semaphore(%arg33 : memref<!tpu.dma_semaphore, #tpu.memory_space<semaphore_mem>>) src(%arg21 : memref<128xf32, #tpu.memory_space<vmem>>) dst(%dma_wait3A_152 : memref<10000xf32, #tpu.memory_space<vmem_shared>>)
      %add3A_153 = arith.constant 19968 : i32
      %add3A_154 = arith.addi %mul3A_2, %add3A_153 : i32
      "tpu.region"() ({
        %run_scoped3A = tpu.sem_alloc : memref<!tpu.dma_semaphore, #tpu.memory_space<semaphore_mem>>
        %dma_start3A_155 = tpu.memref_slice %arg5[%add3A_154] : memref<320000xi32, #tpu.memory_space<hbm>> -> memref<32xi32, #tpu.memory_space<hbm>>
        %dma_start3A_156 = tpu.memref_slice %arg5[%add3A_154] : memref<320000xi32, #tpu.memory_space<hbm>> -> memref<32xi32, #tpu.memory_space<hbm>>
        tpu.enqueue_dma source(%dma_start3A_156 : memref<32xi32, #tpu.memory_space<hbm>>) target(%arg19 : memref<32xi32, #tpu.memory_space<vmem>>) target_semaphore(%run_scoped3A : memref<!tpu.dma_semaphore, #tpu.memory_space<semaphore_mem>>)
        %dma_wait3A_157 = tpu.memref_slice %arg5[%add3A_154] : memref<320000xi32, #tpu.memory_space<hbm>> -> memref<32xi32, #tpu.memory_space<hbm>>
        %dma_wait3A_158 = tpu.memref_slice %arg5[%add3A_154] : memref<320000xi32, #tpu.memory_space<hbm>> -> memref<32xi32, #tpu.memory_space<hbm>>
        tpu.wait_dma2 semaphore(%run_scoped3A : memref<!tpu.dma_semaphore, #tpu.memory_space<semaphore_mem>>) src(%dma_wait3A_158 : memref<32xi32, #tpu.memory_space<hbm>>) dst(%arg19 : memref<32xi32, #tpu.memory_space<vmem>>)
        tpu.yield
      }) : () -> ()
      "tpu.region"() ({
        %run_scoped3A = tpu.sem_alloc : memref<!tpu.dma_semaphore, #tpu.memory_space<semaphore_mem>>
        %dma_start3A_155 = arith.constant 0 : i32
        %dma_start3A_156 = arith.constant 0 : i32
        %dma_start3A_157 = tpu.memref_slice %arg16[%dma_start3A_155, %dma_start3A_156] : memref<128x128xf32, #tpu.memory_space<vmem>> -> memref<32x128xf32, #tpu.memory_space<vmem>>
        %dma_start3A_158 = arith.constant 0 : i32
        %dma_start3A_159 = tpu.memref_slice %arg4[%add3A_154, %dma_start3A_158] : memref<320000x128xf32, #tpu.memory_space<hbm>> -> memref<32x128xf32, #tpu.memory_space<hbm>>
        %dma_start3A_160 = arith.constant 0 : i32
        %dma_start3A_161 = arith.constant 0 : i32
        %dma_start3A_162 = tpu.memref_slice %arg16[%dma_start3A_160, %dma_start3A_161] : memref<128x128xf32, #tpu.memory_space<vmem>> -> memref<32x128xf32, #tpu.memory_space<vmem>>
        %dma_start3A_163 = arith.constant 0 : i32
        %dma_start3A_164 = tpu.memref_slice %arg4[%add3A_154, %dma_start3A_163] : memref<320000x128xf32, #tpu.memory_space<hbm>> -> memref<32x128xf32, #tpu.memory_space<hbm>>
        tpu.enqueue_dma source(%dma_start3A_164 : memref<32x128xf32, #tpu.memory_space<hbm>>) target(%dma_start3A_162 : memref<32x128xf32, #tpu.memory_space<vmem>>) target_semaphore(%run_scoped3A : memref<!tpu.dma_semaphore, #tpu.memory_space<semaphore_mem>>)
        %dma_wait3A_165 = arith.constant 0 : i32
        %dma_wait3A_166 = arith.constant 0 : i32
        %dma_wait3A_167 = tpu.memref_slice %arg16[%dma_wait3A_165, %dma_wait3A_166] : memref<128x128xf32, #tpu.memory_space<vmem>> -> memref<32x128xf32, #tpu.memory_space<vmem>>
        %dma_wait3A_168 = arith.constant 0 : i32
        %dma_wait3A_169 = tpu.memref_slice %arg4[%add3A_154, %dma_wait3A_168] : memref<320000x128xf32, #tpu.memory_space<hbm>> -> memref<32x128xf32, #tpu.memory_space<hbm>>
        %dma_wait3A_170 = arith.constant 0 : i32
        %dma_wait3A_171 = arith.constant 0 : i32
        %dma_wait3A_172 = tpu.memref_slice %arg16[%dma_wait3A_170, %dma_wait3A_171] : memref<128x128xf32, #tpu.memory_space<vmem>> -> memref<32x128xf32, #tpu.memory_space<vmem>>
        %dma_wait3A_173 = arith.constant 0 : i32
        %dma_wait3A_174 = tpu.memref_slice %arg4[%add3A_154, %dma_wait3A_173] : memref<320000x128xf32, #tpu.memory_space<hbm>> -> memref<32x128xf32, #tpu.memory_space<hbm>>
        tpu.wait_dma2 semaphore(%run_scoped3A : memref<!tpu.dma_semaphore, #tpu.memory_space<semaphore_mem>>) src(%dma_wait3A_174 : memref<32x128xf32, #tpu.memory_space<hbm>>) dst(%dma_wait3A_172 : memref<32x128xf32, #tpu.memory_space<vmem>>)
        tpu.yield
      }) : () -> ()
      "tpu.region"() ({
        %run_scoped3A = tpu.sem_alloc : memref<!tpu.dma_semaphore, #tpu.memory_space<semaphore_mem>>
        %dma_start3A_155 = arith.constant 0 : i32
        %dma_start3A_156 = arith.constant 0 : i32
        %dma_start3A_157 = tpu.memref_slice %arg16[%dma_start3A_155, %dma_start3A_156] : memref<128x128xf32, #tpu.memory_space<vmem>> -> memref<32x128xf32, #tpu.memory_space<vmem>>
        %dma_start3A_158 = arith.constant 0 : i32
        %dma_start3A_159 = arith.constant 0 : i32
        %dma_start3A_160 = tpu.memref_slice %arg11[%dma_start3A_158, %dma_start3A_159] : memref<10000x128xf32, #tpu.memory_space<vmem_shared>> -> memref<10000x128xf32, #tpu.memory_space<vmem_shared>>
        tpu.enqueue_indirect_dma source(%dma_start3A_157 : memref<32x128xf32, #tpu.memory_space<vmem>>) target(%dma_start3A_160 : memref<10000x128xf32, #tpu.memory_space<vmem_shared>>) offsets(%arg19 : memref<32xi32, #tpu.memory_space<vmem>>) semaphore(%run_scoped3A : memref<!tpu.dma_semaphore, #tpu.memory_space<semaphore_mem>>) {add = true}
        %dma_wait3A_161 = arith.constant 0 : i32
        %dma_wait3A_162 = arith.constant 0 : i32
        %dma_wait3A_163 = tpu.memref_slice %arg16[%dma_wait3A_161, %dma_wait3A_162] : memref<128x128xf32, #tpu.memory_space<vmem>> -> memref<32x128xf32, #tpu.memory_space<vmem>>
        %dma_wait3A_164 = arith.constant 0 : i32
        %dma_wait3A_165 = arith.constant 0 : i32
        %dma_wait3A_166 = tpu.memref_slice %arg11[%dma_wait3A_164, %dma_wait3A_165] : memref<10000x128xf32, #tpu.memory_space<vmem_shared>> -> memref<10000x128xf32, #tpu.memory_space<vmem_shared>>
        tpu.wait_indirect_dma semaphore(%run_scoped3A : memref<!tpu.dma_semaphore, #tpu.memory_space<semaphore_mem>>) src(%dma_wait3A_163 : memref<32x128xf32, #tpu.memory_space<vmem>>) dst(%dma_wait3A_166 : memref<10000x128xf32, #tpu.memory_space<vmem_shared>>)
        tpu.yield
      }) : () -> ()
      "tpu.region"() ({
        %run_scoped3A = tpu.sem_alloc : memref<!tpu.dma_semaphore, #tpu.memory_space<semaphore_mem>>
        %dma_start3A_155 = arith.constant 0 : i32
        %dma_start3A_156 = tpu.memref_slice %arg21[%dma_start3A_155] : memref<128xf32, #tpu.memory_space<vmem>> -> memref<32xf32, #tpu.memory_space<vmem>>
        %dma_start3A_157 = arith.constant 0 : i32
        %dma_start3A_158 = tpu.memref_slice %arg12[%dma_start3A_157] : memref<10000xf32, #tpu.memory_space<vmem_shared>> -> memref<10000xf32, #tpu.memory_space<vmem_shared>>
        tpu.enqueue_indirect_dma source(%dma_start3A_156 : memref<32xf32, #tpu.memory_space<vmem>>) target(%dma_start3A_158 : memref<10000xf32, #tpu.memory_space<vmem_shared>>) offsets(%arg19 : memref<32xi32, #tpu.memory_space<vmem>>) semaphore(%run_scoped3A : memref<!tpu.dma_semaphore, #tpu.memory_space<semaphore_mem>>) {add = true}
        %dma_wait3A_159 = arith.constant 0 : i32
        %dma_wait3A_160 = tpu.memref_slice %arg21[%dma_wait3A_159] : memref<128xf32, #tpu.memory_space<vmem>> -> memref<32xf32, #tpu.memory_space<vmem>>
        %dma_wait3A_161 = arith.constant 0 : i32
        %dma_wait3A_162 = tpu.memref_slice %arg12[%dma_wait3A_161] : memref<10000xf32, #tpu.memory_space<vmem_shared>> -> memref<10000xf32, #tpu.memory_space<vmem_shared>>
        tpu.wait_indirect_dma semaphore(%run_scoped3A : memref<!tpu.dma_semaphore, #tpu.memory_space<semaphore_mem>>) src(%dma_wait3A_160 : memref<32xf32, #tpu.memory_space<vmem>>) dst(%dma_wait3A_162 : memref<10000xf32, #tpu.memory_space<vmem_shared>>)
        tpu.yield
      }) : () -> ()
    } else {
    }
    %barrier3A_50 = arith.constant 0 : index
    tpu.barrier barrier_id(%barrier3A_50)
    %eq3A_51 = arith.constant 0 : i32
    %eq3A_52 = arith.cmpi eq, %arg0, %eq3A_51 : i32
    %convert_element_type3A_53 = arith.extui %eq3A_52 : i1 to i32
    %cond3A_54 = arith.constant 0 : i32
    %cond3A_55 = arith.cmpi ne, %convert_element_type3A_53, %cond3A_54 : i32
    scf.if %cond3A_55 {
      %add3A_61 = arith.constant 0 : i32
      %add3A_62 = arith.addi %mul3A_0, %add3A_61 : i32
      %dma_start3A = arith.constant 0 : i32
      %dma_start3A_63 = tpu.memref_slice %arg11[%add3A_62, %dma_start3A] : memref<10000x128xf32, #tpu.memory_space<vmem_shared>> -> memref<128x128xf32, #tpu.memory_space<vmem_shared>>
      %dma_start3A_64 = arith.constant 0 : i32
      %dma_start3A_65 = tpu.memref_slice %arg11[%add3A_62, %dma_start3A_64] : memref<10000x128xf32, #tpu.memory_space<vmem_shared>> -> memref<128x128xf32, #tpu.memory_space<vmem_shared>>
      tpu.enqueue_dma source(%dma_start3A_65 : memref<128x128xf32, #tpu.memory_space<vmem_shared>>) target(%arg16 : memref<128x128xf32, #tpu.memory_space<vmem>>) target_semaphore(%arg25 : memref<!tpu.dma_semaphore, #tpu.memory_space<semaphore_mem>>)
      %add3A_66 = arith.constant 0 : i32
      %add3A_67 = arith.addi %mul3A_0, %add3A_66 : i32
      %dma_wait3A = arith.constant 0 : i32
      %dma_wait3A_68 = tpu.memref_slice %arg11[%add3A_67, %dma_wait3A] : memref<10000x128xf32, #tpu.memory_space<vmem_shared>> -> memref<128x128xf32, #tpu.memory_space<vmem_shared>>
      %dma_wait3A_69 = arith.constant 0 : i32
      %dma_wait3A_70 = tpu.memref_slice %arg11[%add3A_67, %dma_wait3A_69] : memref<10000x128xf32, #tpu.memory_space<vmem_shared>> -> memref<128x128xf32, #tpu.memory_space<vmem_shared>>
      tpu.wait_dma2 semaphore(%arg25 : memref<!tpu.dma_semaphore, #tpu.memory_space<semaphore_mem>>) src(%dma_wait3A_70 : memref<128x128xf32, #tpu.memory_space<vmem_shared>>) dst(%arg16 : memref<128x128xf32, #tpu.memory_space<vmem>>)
      %add3A_71 = arith.constant 128 : i32
      %add3A_72 = arith.addi %mul3A_0, %add3A_71 : i32
      %dma_start3A_73 = arith.constant 0 : i32
      %dma_start3A_74 = tpu.memref_slice %arg11[%add3A_72, %dma_start3A_73] : memref<10000x128xf32, #tpu.memory_space<vmem_shared>> -> memref<128x128xf32, #tpu.memory_space<vmem_shared>>
      %dma_start3A_75 = arith.constant 0 : i32
      %dma_start3A_76 = tpu.memref_slice %arg11[%add3A_72, %dma_start3A_75] : memref<10000x128xf32, #tpu.memory_space<vmem_shared>> -> memref<128x128xf32, #tpu.memory_space<vmem_shared>>
      tpu.enqueue_dma source(%dma_start3A_76 : memref<128x128xf32, #tpu.memory_space<vmem_shared>>) target(%arg17 : memref<128x128xf32, #tpu.memory_space<vmem>>) target_semaphore(%arg26 : memref<!tpu.dma_semaphore, #tpu.memory_space<semaphore_mem>>)
      %add3A_77 = arith.constant 0 : i32
      %add3A_78 = arith.addi %mul3A_0, %add3A_77 : i32
      %dma_start3A_79 = arith.constant 0 : i32
      %dma_start3A_80 = tpu.memref_slice %arg7[%add3A_78, %dma_start3A_79] : memref<10000x128xf32, #tpu.memory_space<hbm>> -> memref<128x128xf32, #tpu.memory_space<hbm>>
      %dma_start3A_81 = arith.constant 0 : i32
      %dma_start3A_82 = tpu.memref_slice %arg7[%add3A_78, %dma_start3A_81] : memref<10000x128xf32, #tpu.memory_space<hbm>> -> memref<128x128xf32, #tpu.memory_space<hbm>>
      tpu.enqueue_dma source(%arg16 : memref<128x128xf32, #tpu.memory_space<vmem>>) target(%dma_start3A_82 : memref<128x128xf32, #tpu.memory_space<hbm>>) target_semaphore(%arg28 : memref<!tpu.dma_semaphore, #tpu.memory_space<semaphore_mem>>)
      %add3A_83 = arith.constant 128 : i32
      %add3A_84 = arith.addi %mul3A_0, %add3A_83 : i32
      %dma_wait3A_85 = arith.constant 0 : i32
      %dma_wait3A_86 = tpu.memref_slice %arg11[%add3A_84, %dma_wait3A_85] : memref<10000x128xf32, #tpu.memory_space<vmem_shared>> -> memref<128x128xf32, #tpu.memory_space<vmem_shared>>
      %dma_wait3A_87 = arith.constant 0 : i32
      %dma_wait3A_88 = tpu.memref_slice %arg11[%add3A_84, %dma_wait3A_87] : memref<10000x128xf32, #tpu.memory_space<vmem_shared>> -> memref<128x128xf32, #tpu.memory_space<vmem_shared>>
      tpu.wait_dma2 semaphore(%arg26 : memref<!tpu.dma_semaphore, #tpu.memory_space<semaphore_mem>>) src(%dma_wait3A_88 : memref<128x128xf32, #tpu.memory_space<vmem_shared>>) dst(%arg17 : memref<128x128xf32, #tpu.memory_space<vmem>>)
      %add3A_89 = arith.constant 0 : i32
      %add3A_90 = arith.addi %mul3A_0, %add3A_89 : i32
      %dma_wait3A_91 = arith.constant 0 : i32
      %dma_wait3A_92 = tpu.memref_slice %arg7[%add3A_90, %dma_wait3A_91] : memref<10000x128xf32, #tpu.memory_space<hbm>> -> memref<128x128xf32, #tpu.memory_space<hbm>>
      %dma_wait3A_93 = arith.constant 0 : i32
      %dma_wait3A_94 = tpu.memref_slice %arg7[%add3A_90, %dma_wait3A_93] : memref<10000x128xf32, #tpu.memory_space<hbm>> -> memref<128x128xf32, #tpu.memory_space<hbm>>
      tpu.wait_dma2 semaphore(%arg28 : memref<!tpu.dma_semaphore, #tpu.memory_space<semaphore_mem>>) src(%arg16 : memref<128x128xf32, #tpu.memory_space<vmem>>) dst(%dma_wait3A_94 : memref<128x128xf32, #tpu.memory_space<hbm>>)
      %add3A_95 = arith.constant 256 : i32
      %add3A_96 = arith.addi %mul3A_0, %add3A_95 : i32
      %dma_start3A_97 = arith.constant 0 : i32
      %dma_start3A_98 = tpu.memref_slice %arg11[%add3A_96, %dma_start3A_97] : memref<10000x128xf32, #tpu.memory_space<vmem_shared>> -> memref<128x128xf32, #tpu.memory_space<vmem_shared>>
      %dma_start3A_99 = arith.constant 0 : i32
      %dma_start3A_100 = tpu.memref_slice %arg11[%add3A_96, %dma_start3A_99] : memref<10000x128xf32, #tpu.memory_space<vmem_shared>> -> memref<128x128xf32, #tpu.memory_space<vmem_shared>>
      tpu.enqueue_dma source(%dma_start3A_100 : memref<128x128xf32, #tpu.memory_space<vmem_shared>>) target(%arg16 : memref<128x128xf32, #tpu.memory_space<vmem>>) target_semaphore(%arg25 : memref<!tpu.dma_semaphore, #tpu.memory_space<semaphore_mem>>)
      %add3A_101 = arith.constant 128 : i32
      %add3A_102 = arith.addi %mul3A_0, %add3A_101 : i32
      %dma_start3A_103 = arith.constant 0 : i32
      %dma_start3A_104 = tpu.memref_slice %arg7[%add3A_102, %dma_start3A_103] : memref<10000x128xf32, #tpu.memory_space<hbm>> -> memref<128x128xf32, #tpu.memory_space<hbm>>
      %dma_start3A_105 = arith.constant 0 : i32
      %dma_start3A_106 = tpu.memref_slice %arg7[%add3A_102, %dma_start3A_105] : memref<10000x128xf32, #tpu.memory_space<hbm>> -> memref<128x128xf32, #tpu.memory_space<hbm>>
      tpu.enqueue_dma source(%arg17 : memref<128x128xf32, #tpu.memory_space<vmem>>) target(%dma_start3A_106 : memref<128x128xf32, #tpu.memory_space<hbm>>) target_semaphore(%arg29 : memref<!tpu.dma_semaphore, #tpu.memory_space<semaphore_mem>>)
      %add3A_107 = arith.constant 256 : i32
      %add3A_108 = arith.addi %mul3A_0, %add3A_107 : i32
      %dma_wait3A_109 = arith.constant 0 : i32
      %dma_wait3A_110 = tpu.memref_slice %arg11[%add3A_108, %dma_wait3A_109] : memref<10000x128xf32, #tpu.memory_space<vmem_shared>> -> memref<128x128xf32, #tpu.memory_space<vmem_shared>>
      %dma_wait3A_111 = arith.constant 0 : i32
      %dma_wait3A_112 = tpu.memref_slice %arg11[%add3A_108, %dma_wait3A_111] : memref<10000x128xf32, #tpu.memory_space<vmem_shared>> -> memref<128x128xf32, #tpu.memory_space<vmem_shared>>
      tpu.wait_dma2 semaphore(%arg25 : memref<!tpu.dma_semaphore, #tpu.memory_space<semaphore_mem>>) src(%dma_wait3A_112 : memref<128x128xf32, #tpu.memory_space<vmem_shared>>) dst(%arg16 : memref<128x128xf32, #tpu.memory_space<vmem>>)
      %add3A_113 = arith.constant 128 : i32
      %add3A_114 = arith.addi %mul3A_0, %add3A_113 : i32
      %dma_wait3A_115 = arith.constant 0 : i32
      %dma_wait3A_116 = tpu.memref_slice %arg7[%add3A_114, %dma_wait3A_115] : memref<10000x128xf32, #tpu.memory_space<hbm>> -> memref<128x128xf32, #tpu.memory_space<hbm>>
      %dma_wait3A_117 = arith.constant 0 : i32
      %dma_wait3A_118 = tpu.memref_slice %arg7[%add3A_114, %dma_wait3A_117] : memref<10000x128xf32, #tpu.memory_space<hbm>> -> memref<128x128xf32, #tpu.memory_space<hbm>>
      tpu.wait_dma2 semaphore(%arg29 : memref<!tpu.dma_semaphore, #tpu.memory_space<semaphore_mem>>) src(%arg17 : memref<128x128xf32, #tpu.memory_space<vmem>>) dst(%dma_wait3A_118 : memref<128x128xf32, #tpu.memory_space<hbm>>)
      %add3A_119 = arith.constant 384 : i32
      %add3A_120 = arith.addi %mul3A_0, %add3A_119 : i32
      %dma_start3A_121 = arith.constant 0 : i32
      %dma_start3A_122 = tpu.memref_slice %arg11[%add3A_120, %dma_start3A_121] : memref<10000x128xf32, #tpu.memory_space<vmem_shared>> -> memref<128x128xf32, #tpu.memory_space<vmem_shared>>
      %dma_start3A_123 = arith.constant 0 : i32
      %dma_start3A_124 = tpu.memref_slice %arg11[%add3A_120, %dma_start3A_123] : memref<10000x128xf32, #tpu.memory_space<vmem_shared>> -> memref<128x128xf32, #tpu.memory_space<vmem_shared>>
      tpu.enqueue_dma source(%dma_start3A_124 : memref<128x128xf32, #tpu.memory_space<vmem_shared>>) target(%arg17 : memref<128x128xf32, #tpu.memory_space<vmem>>) target_semaphore(%arg26 : memref<!tpu.dma_semaphore, #tpu.memory_space<semaphore_mem>>)
      %add3A_125 = arith.constant 256 : i32
      %add3A_126 = arith.addi %mul3A_0, %add3A_125 : i32
      %dma_start3A_127 = arith.constant 0 : i32
      %dma_start3A_128 = tpu.memref_slice %arg7[%add3A_126, %dma_start3A_127] : memref<10000x128xf32, #tpu.memory_space<hbm>> -> memref<128x128xf32, #tpu.memory_space<hbm>>
      %dma_start3A_129 = arith.constant 0 : i32
      %dma_start3A_130 = tpu.memref_slice %arg7[%add3A_126, %dma_start3A_129] : memref<10000x128xf32, #tpu.memory_space<hbm>> -> memref<128x128xf32, #tpu.memory_space<hbm>>
      tpu.enqueue_dma source(%arg16 : memref<128x128xf32, #tpu.memory_space<vmem>>) target(%dma_start3A_130 : memref<128x128xf32, #tpu.memory_space<hbm>>) target_semaphore(%arg28 : memref<!tpu.dma_semaphore, #tpu.memory_space<semaphore_mem>>)
      %add3A_131 = arith.constant 384 : i32
      %add3A_132 = arith.addi %mul3A_0, %add3A_131 : i32
      %dma_wait3A_133 = arith.constant 0 : i32
      %dma_wait3A_134 = tpu.memref_slice %arg11[%add3A_132, %dma_wait3A_133] : memref<10000x128xf32, #tpu.memory_space<vmem_shared>> -> memref<128x128xf32, #tpu.memory_space<vmem_shared>>
      %dma_wait3A_135 = arith.constant 0 : i32
      %dma_wait3A_136 = tpu.memref_slice %arg11[%add3A_132, %dma_wait3A_135] : memref<10000x128xf32, #tpu.memory_space<vmem_shared>> -> memref<128x128xf32, #tpu.memory_space<vmem_shared>>
      tpu.wait_dma2 semaphore(%arg26 : memref<!tpu.dma_semaphore, #tpu.memory_space<semaphore_mem>>) src(%dma_wait3A_136 : memref<128x128xf32, #tpu.memory_space<vmem_shared>>) dst(%arg17 : memref<128x128xf32, #tpu.memory_space<vmem>>)
      %add3A_137 = arith.constant 256 : i32
      %add3A_138 = arith.addi %mul3A_0, %add3A_137 : i32
      %dma_wait3A_139 = arith.constant 0 : i32
      %dma_wait3A_140 = tpu.memref_slice %arg7[%add3A_138, %dma_wait3A_139] : memref<10000x128xf32, #tpu.memory_space<hbm>> -> memref<128x128xf32, #tpu.memory_space<hbm>>
      %dma_wait3A_141 = arith.constant 0 : i32
      %dma_wait3A_142 = tpu.memref_slice %arg7[%add3A_138, %dma_wait3A_141] : memref<10000x128xf32, #tpu.memory_space<hbm>> -> memref<128x128xf32, #tpu.memory_space<hbm>>
      tpu.wait_dma2 semaphore(%arg28 : memref<!tpu.dma_semaphore, #tpu.memory_space<semaphore_mem>>) src(%arg16 : memref<128x128xf32, #tpu.memory_space<vmem>>) dst(%dma_wait3A_142 : memref<128x128xf32, #tpu.memory_space<hbm>>)
      %add3A_143 = arith.constant 512 : i32
      %add3A_144 = arith.addi %mul3A_0, %add3A_143 : i32
      %dma_start3A_145 = arith.constant 0 : i32
      %dma_start3A_146 = tpu.memref_slice %arg11[%add3A_144, %dma_start3A_145] : memref<10000x128xf32, #tpu.memory_space<vmem_shared>> -> memref<128x128xf32, #tpu.memory_space<vmem_shared>>
      %dma_start3A_147 = arith.constant 0 : i32
      %dma_start3A_148 = tpu.memref_slice %arg11[%add3A_144, %dma_start3A_147] : memref<10000x128xf32, #tpu.memory_space<vmem_shared>> -> memref<128x128xf32, #tpu.memory_space<vmem_shared>>
      tpu.enqueue_dma source(%dma_start3A_148 : memref<128x128xf32, #tpu.memory_space<vmem_shared>>) target(%arg16 : memref<128x128xf32, #tpu.memory_space<vmem>>) target_semaphore(%arg25 : memref<!tpu.dma_semaphore, #tpu.memory_space<semaphore_mem>>)
      %add3A_149 = arith.constant 384 : i32
      %add3A_150 = arith.addi %mul3A_0, %add3A_149 : i32
      %dma_start3A_151 = arith.constant 0 : i32
      %dma_start3A_152 = tpu.memref_slice %arg7[%add3A_150, %dma_start3A_151] : memref<10000x128xf32, #tpu.memory_space<hbm>> -> memref<128x128xf32, #tpu.memory_space<hbm>>
      %dma_start3A_153 = arith.constant 0 : i32
      %dma_start3A_154 = tpu.memref_slice %arg7[%add3A_150, %dma_start3A_153] : memref<10000x128xf32, #tpu.memory_space<hbm>> -> memref<128x128xf32, #tpu.memory_space<hbm>>
      tpu.enqueue_dma source(%arg17 : memref<128x128xf32, #tpu.memory_space<vmem>>) target(%dma_start3A_154 : memref<128x128xf32, #tpu.memory_space<hbm>>) target_semaphore(%arg29 : memref<!tpu.dma_semaphore, #tpu.memory_space<semaphore_mem>>)
      %add3A_155 = arith.constant 512 : i32
      %add3A_156 = arith.addi %mul3A_0, %add3A_155 : i32
      %dma_wait3A_157 = arith.constant 0 : i32
      %dma_wait3A_158 = tpu.memref_slice %arg11[%add3A_156, %dma_wait3A_157] : memref<10000x128xf32, #tpu.memory_space<vmem_shared>> -> memref<128x128xf32, #tpu.memory_space<vmem_shared>>
      %dma_wait3A_159 = arith.constant 0 : i32
      %dma_wait3A_160 = tpu.memref_slice %arg11[%add3A_156, %dma_wait3A_159] : memref<10000x128xf32, #tpu.memory_space<vmem_shared>> -> memref<128x128xf32, #tpu.memory_space<vmem_shared>>
      tpu.wait_dma2 semaphore(%arg25 : memref<!tpu.dma_semaphore, #tpu.memory_space<semaphore_mem>>) src(%dma_wait3A_160 : memref<128x128xf32, #tpu.memory_space<vmem_shared>>) dst(%arg16 : memref<128x128xf32, #tpu.memory_space<vmem>>)
      %add3A_161 = arith.constant 512 : i32
      %add3A_162 = arith.addi %mul3A_0, %add3A_161 : i32
      %dma_start3A_163 = arith.constant 0 : i32
      %dma_start3A_164 = tpu.memref_slice %arg7[%add3A_162, %dma_start3A_163] : memref<10000x128xf32, #tpu.memory_space<hbm>> -> memref<128x128xf32, #tpu.memory_space<hbm>>
      %dma_start3A_165 = arith.constant 0 : i32
      %dma_start3A_166 = tpu.memref_slice %arg7[%add3A_162, %dma_start3A_165] : memref<10000x128xf32, #tpu.memory_space<hbm>> -> memref<128x128xf32, #tpu.memory_space<hbm>>
      tpu.enqueue_dma source(%arg16 : memref<128x128xf32, #tpu.memory_space<vmem>>) target(%dma_start3A_166 : memref<128x128xf32, #tpu.memory_space<hbm>>) target_semaphore(%arg28 : memref<!tpu.dma_semaphore, #tpu.memory_space<semaphore_mem>>)
      "tpu.region"() ({
        %run_scoped3A = tpu.sem_alloc : memref<!tpu.dma_semaphore, #tpu.memory_space<semaphore_mem>>
        %dma_start3A_179 = tpu.memref_slice %arg12[%mul3A_0] : memref<10000xf32, #tpu.memory_space<vmem_shared>> -> memref<640xf32, #tpu.memory_space<vmem_shared>>
        %dma_start3A_180 = tpu.memref_slice %arg12[%mul3A_0] : memref<10000xf32, #tpu.memory_space<vmem_shared>> -> memref<640xf32, #tpu.memory_space<vmem_shared>>
        tpu.enqueue_dma source(%dma_start3A_180 : memref<640xf32, #tpu.memory_space<vmem_shared>>) target(%arg20 : memref<640xf32, #tpu.memory_space<vmem>>) target_semaphore(%run_scoped3A : memref<!tpu.dma_semaphore, #tpu.memory_space<semaphore_mem>>)
        %dma_wait3A_181 = tpu.memref_slice %arg12[%mul3A_0] : memref<10000xf32, #tpu.memory_space<vmem_shared>> -> memref<640xf32, #tpu.memory_space<vmem_shared>>
        %dma_wait3A_182 = tpu.memref_slice %arg12[%mul3A_0] : memref<10000xf32, #tpu.memory_space<vmem_shared>> -> memref<640xf32, #tpu.memory_space<vmem_shared>>
        tpu.wait_dma2 semaphore(%run_scoped3A : memref<!tpu.dma_semaphore, #tpu.memory_space<semaphore_mem>>) src(%dma_wait3A_182 : memref<640xf32, #tpu.memory_space<vmem_shared>>) dst(%arg20 : memref<640xf32, #tpu.memory_space<vmem>>)
        tpu.yield
      }) : () -> ()
      "tpu.region"() ({
        %run_scoped3A = tpu.sem_alloc : memref<!tpu.dma_semaphore, #tpu.memory_space<semaphore_mem>>
        %dma_start3A_179 = tpu.memref_slice %arg9[%mul3A_0] : memref<10000xf32, #tpu.memory_space<hbm>> -> memref<640xf32, #tpu.memory_space<hbm>>
        %dma_start3A_180 = tpu.memref_slice %arg9[%mul3A_0] : memref<10000xf32, #tpu.memory_space<hbm>> -> memref<640xf32, #tpu.memory_space<hbm>>
        tpu.enqueue_dma source(%arg20 : memref<640xf32, #tpu.memory_space<vmem>>) target(%dma_start3A_180 : memref<640xf32, #tpu.memory_space<hbm>>) target_semaphore(%run_scoped3A : memref<!tpu.dma_semaphore, #tpu.memory_space<semaphore_mem>>)
        %dma_wait3A_181 = tpu.memref_slice %arg9[%mul3A_0] : memref<10000xf32, #tpu.memory_space<hbm>> -> memref<640xf32, #tpu.memory_space<hbm>>
        %dma_wait3A_182 = tpu.memref_slice %arg9[%mul3A_0] : memref<10000xf32, #tpu.memory_space<hbm>> -> memref<640xf32, #tpu.memory_space<hbm>>
        tpu.wait_dma2 semaphore(%run_scoped3A : memref<!tpu.dma_semaphore, #tpu.memory_space<semaphore_mem>>) src(%arg20 : memref<640xf32, #tpu.memory_space<vmem>>) dst(%dma_wait3A_182 : memref<640xf32, #tpu.memory_space<hbm>>)
        tpu.yield
      }) : () -> ()
      %add3A_167 = arith.constant 384 : i32
      %add3A_168 = arith.addi %mul3A_0, %add3A_167 : i32
      %dma_wait3A_169 = arith.constant 0 : i32
      %dma_wait3A_170 = tpu.memref_slice %arg7[%add3A_168, %dma_wait3A_169] : memref<10000x128xf32, #tpu.memory_space<hbm>> -> memref<128x128xf32, #tpu.memory_space<hbm>>
      %dma_wait3A_171 = arith.constant 0 : i32
      %dma_wait3A_172 = tpu.memref_slice %arg7[%add3A_168, %dma_wait3A_171] : memref<10000x128xf32, #tpu.memory_space<hbm>> -> memref<128x128xf32, #tpu.memory_space<hbm>>
      tpu.wait_dma2 semaphore(%arg29 : memref<!tpu.dma_semaphore, #tpu.memory_space<semaphore_mem>>) src(%arg17 : memref<128x128xf32, #tpu.memory_space<vmem>>) dst(%dma_wait3A_172 : memref<128x128xf32, #tpu.memory_space<hbm>>)
      %add3A_173 = arith.constant 512 : i32
      %add3A_174 = arith.addi %mul3A_0, %add3A_173 : i32
      %dma_wait3A_175 = arith.constant 0 : i32
      %dma_wait3A_176 = tpu.memref_slice %arg7[%add3A_174, %dma_wait3A_175] : memref<10000x128xf32, #tpu.memory_space<hbm>> -> memref<128x128xf32, #tpu.memory_space<hbm>>
      %dma_wait3A_177 = arith.constant 0 : i32
      %dma_wait3A_178 = tpu.memref_slice %arg7[%add3A_174, %dma_wait3A_177] : memref<10000x128xf32, #tpu.memory_space<hbm>> -> memref<128x128xf32, #tpu.memory_space<hbm>>
      tpu.wait_dma2 semaphore(%arg28 : memref<!tpu.dma_semaphore, #tpu.memory_space<semaphore_mem>>) src(%arg16 : memref<128x128xf32, #tpu.memory_space<vmem>>) dst(%dma_wait3A_178 : memref<128x128xf32, #tpu.memory_space<hbm>>)
    } else {
    }
    %eq3A_56 = arith.constant 1 : i32
    %eq3A_57 = arith.cmpi eq, %arg0, %eq3A_56 : i32
    %convert_element_type3A_58 = arith.extui %eq3A_57 : i1 to i32
    %cond3A_59 = arith.constant 0 : i32
    %cond3A_60 = arith.cmpi ne, %convert_element_type3A_58, %cond3A_59 : i32
    scf.if %cond3A_60 {
      %add3A_61 = arith.constant 0 : i32
      %add3A_62 = arith.addi %mul3A_0, %add3A_61 : i32
      %dma_start3A = arith.constant 0 : i32
      %dma_start3A_63 = tpu.memref_slice %arg11[%add3A_62, %dma_start3A] : memref<10000x128xf32, #tpu.memory_space<vmem_shared>> -> memref<128x128xf32, #tpu.memory_space<vmem_shared>>
      %dma_start3A_64 = arith.constant 0 : i32
      %dma_start3A_65 = tpu.memref_slice %arg11[%add3A_62, %dma_start3A_64] : memref<10000x128xf32, #tpu.memory_space<vmem_shared>> -> memref<128x128xf32, #tpu.memory_space<vmem_shared>>
      tpu.enqueue_dma source(%dma_start3A_65 : memref<128x128xf32, #tpu.memory_space<vmem_shared>>) target(%arg16 : memref<128x128xf32, #tpu.memory_space<vmem>>) target_semaphore(%arg25 : memref<!tpu.dma_semaphore, #tpu.memory_space<semaphore_mem>>)
      %add3A_66 = arith.constant 0 : i32
      %add3A_67 = arith.addi %mul3A_0, %add3A_66 : i32
      %dma_wait3A = arith.constant 0 : i32
      %dma_wait3A_68 = tpu.memref_slice %arg11[%add3A_67, %dma_wait3A] : memref<10000x128xf32, #tpu.memory_space<vmem_shared>> -> memref<128x128xf32, #tpu.memory_space<vmem_shared>>
      %dma_wait3A_69 = arith.constant 0 : i32
      %dma_wait3A_70 = tpu.memref_slice %arg11[%add3A_67, %dma_wait3A_69] : memref<10000x128xf32, #tpu.memory_space<vmem_shared>> -> memref<128x128xf32, #tpu.memory_space<vmem_shared>>
      tpu.wait_dma2 semaphore(%arg25 : memref<!tpu.dma_semaphore, #tpu.memory_space<semaphore_mem>>) src(%dma_wait3A_70 : memref<128x128xf32, #tpu.memory_space<vmem_shared>>) dst(%arg16 : memref<128x128xf32, #tpu.memory_space<vmem>>)
      %add3A_71 = arith.constant 128 : i32
      %add3A_72 = arith.addi %mul3A_0, %add3A_71 : i32
      %dma_start3A_73 = arith.constant 0 : i32
      %dma_start3A_74 = tpu.memref_slice %arg11[%add3A_72, %dma_start3A_73] : memref<10000x128xf32, #tpu.memory_space<vmem_shared>> -> memref<128x128xf32, #tpu.memory_space<vmem_shared>>
      %dma_start3A_75 = arith.constant 0 : i32
      %dma_start3A_76 = tpu.memref_slice %arg11[%add3A_72, %dma_start3A_75] : memref<10000x128xf32, #tpu.memory_space<vmem_shared>> -> memref<128x128xf32, #tpu.memory_space<vmem_shared>>
      tpu.enqueue_dma source(%dma_start3A_76 : memref<128x128xf32, #tpu.memory_space<vmem_shared>>) target(%arg17 : memref<128x128xf32, #tpu.memory_space<vmem>>) target_semaphore(%arg26 : memref<!tpu.dma_semaphore, #tpu.memory_space<semaphore_mem>>)
      %add3A_77 = arith.constant 0 : i32
      %add3A_78 = arith.addi %mul3A_0, %add3A_77 : i32
      %dma_start3A_79 = arith.constant 0 : i32
      %dma_start3A_80 = tpu.memref_slice %arg8[%add3A_78, %dma_start3A_79] : memref<10000x128xf32, #tpu.memory_space<hbm>> -> memref<128x128xf32, #tpu.memory_space<hbm>>
      %dma_start3A_81 = arith.constant 0 : i32
      %dma_start3A_82 = tpu.memref_slice %arg8[%add3A_78, %dma_start3A_81] : memref<10000x128xf32, #tpu.memory_space<hbm>> -> memref<128x128xf32, #tpu.memory_space<hbm>>
      tpu.enqueue_dma source(%arg16 : memref<128x128xf32, #tpu.memory_space<vmem>>) target(%dma_start3A_82 : memref<128x128xf32, #tpu.memory_space<hbm>>) target_semaphore(%arg28 : memref<!tpu.dma_semaphore, #tpu.memory_space<semaphore_mem>>)
      %add3A_83 = arith.constant 128 : i32
      %add3A_84 = arith.addi %mul3A_0, %add3A_83 : i32
      %dma_wait3A_85 = arith.constant 0 : i32
      %dma_wait3A_86 = tpu.memref_slice %arg11[%add3A_84, %dma_wait3A_85] : memref<10000x128xf32, #tpu.memory_space<vmem_shared>> -> memref<128x128xf32, #tpu.memory_space<vmem_shared>>
      %dma_wait3A_87 = arith.constant 0 : i32
      %dma_wait3A_88 = tpu.memref_slice %arg11[%add3A_84, %dma_wait3A_87] : memref<10000x128xf32, #tpu.memory_space<vmem_shared>> -> memref<128x128xf32, #tpu.memory_space<vmem_shared>>
      tpu.wait_dma2 semaphore(%arg26 : memref<!tpu.dma_semaphore, #tpu.memory_space<semaphore_mem>>) src(%dma_wait3A_88 : memref<128x128xf32, #tpu.memory_space<vmem_shared>>) dst(%arg17 : memref<128x128xf32, #tpu.memory_space<vmem>>)
      %add3A_89 = arith.constant 0 : i32
      %add3A_90 = arith.addi %mul3A_0, %add3A_89 : i32
      %dma_wait3A_91 = arith.constant 0 : i32
      %dma_wait3A_92 = tpu.memref_slice %arg8[%add3A_90, %dma_wait3A_91] : memref<10000x128xf32, #tpu.memory_space<hbm>> -> memref<128x128xf32, #tpu.memory_space<hbm>>
      %dma_wait3A_93 = arith.constant 0 : i32
      %dma_wait3A_94 = tpu.memref_slice %arg8[%add3A_90, %dma_wait3A_93] : memref<10000x128xf32, #tpu.memory_space<hbm>> -> memref<128x128xf32, #tpu.memory_space<hbm>>
      tpu.wait_dma2 semaphore(%arg28 : memref<!tpu.dma_semaphore, #tpu.memory_space<semaphore_mem>>) src(%arg16 : memref<128x128xf32, #tpu.memory_space<vmem>>) dst(%dma_wait3A_94 : memref<128x128xf32, #tpu.memory_space<hbm>>)
      %add3A_95 = arith.constant 256 : i32
      %add3A_96 = arith.addi %mul3A_0, %add3A_95 : i32
      %dma_start3A_97 = arith.constant 0 : i32
      %dma_start3A_98 = tpu.memref_slice %arg11[%add3A_96, %dma_start3A_97] : memref<10000x128xf32, #tpu.memory_space<vmem_shared>> -> memref<128x128xf32, #tpu.memory_space<vmem_shared>>
      %dma_start3A_99 = arith.constant 0 : i32
      %dma_start3A_100 = tpu.memref_slice %arg11[%add3A_96, %dma_start3A_99] : memref<10000x128xf32, #tpu.memory_space<vmem_shared>> -> memref<128x128xf32, #tpu.memory_space<vmem_shared>>
      tpu.enqueue_dma source(%dma_start3A_100 : memref<128x128xf32, #tpu.memory_space<vmem_shared>>) target(%arg16 : memref<128x128xf32, #tpu.memory_space<vmem>>) target_semaphore(%arg25 : memref<!tpu.dma_semaphore, #tpu.memory_space<semaphore_mem>>)
      %add3A_101 = arith.constant 128 : i32
      %add3A_102 = arith.addi %mul3A_0, %add3A_101 : i32
      %dma_start3A_103 = arith.constant 0 : i32
      %dma_start3A_104 = tpu.memref_slice %arg8[%add3A_102, %dma_start3A_103] : memref<10000x128xf32, #tpu.memory_space<hbm>> -> memref<128x128xf32, #tpu.memory_space<hbm>>
      %dma_start3A_105 = arith.constant 0 : i32
      %dma_start3A_106 = tpu.memref_slice %arg8[%add3A_102, %dma_start3A_105] : memref<10000x128xf32, #tpu.memory_space<hbm>> -> memref<128x128xf32, #tpu.memory_space<hbm>>
      tpu.enqueue_dma source(%arg17 : memref<128x128xf32, #tpu.memory_space<vmem>>) target(%dma_start3A_106 : memref<128x128xf32, #tpu.memory_space<hbm>>) target_semaphore(%arg29 : memref<!tpu.dma_semaphore, #tpu.memory_space<semaphore_mem>>)
      %add3A_107 = arith.constant 256 : i32
      %add3A_108 = arith.addi %mul3A_0, %add3A_107 : i32
      %dma_wait3A_109 = arith.constant 0 : i32
      %dma_wait3A_110 = tpu.memref_slice %arg11[%add3A_108, %dma_wait3A_109] : memref<10000x128xf32, #tpu.memory_space<vmem_shared>> -> memref<128x128xf32, #tpu.memory_space<vmem_shared>>
      %dma_wait3A_111 = arith.constant 0 : i32
      %dma_wait3A_112 = tpu.memref_slice %arg11[%add3A_108, %dma_wait3A_111] : memref<10000x128xf32, #tpu.memory_space<vmem_shared>> -> memref<128x128xf32, #tpu.memory_space<vmem_shared>>
      tpu.wait_dma2 semaphore(%arg25 : memref<!tpu.dma_semaphore, #tpu.memory_space<semaphore_mem>>) src(%dma_wait3A_112 : memref<128x128xf32, #tpu.memory_space<vmem_shared>>) dst(%arg16 : memref<128x128xf32, #tpu.memory_space<vmem>>)
      %add3A_113 = arith.constant 128 : i32
      %add3A_114 = arith.addi %mul3A_0, %add3A_113 : i32
      %dma_wait3A_115 = arith.constant 0 : i32
      %dma_wait3A_116 = tpu.memref_slice %arg8[%add3A_114, %dma_wait3A_115] : memref<10000x128xf32, #tpu.memory_space<hbm>> -> memref<128x128xf32, #tpu.memory_space<hbm>>
      %dma_wait3A_117 = arith.constant 0 : i32
      %dma_wait3A_118 = tpu.memref_slice %arg8[%add3A_114, %dma_wait3A_117] : memref<10000x128xf32, #tpu.memory_space<hbm>> -> memref<128x128xf32, #tpu.memory_space<hbm>>
      tpu.wait_dma2 semaphore(%arg29 : memref<!tpu.dma_semaphore, #tpu.memory_space<semaphore_mem>>) src(%arg17 : memref<128x128xf32, #tpu.memory_space<vmem>>) dst(%dma_wait3A_118 : memref<128x128xf32, #tpu.memory_space<hbm>>)
      %add3A_119 = arith.constant 384 : i32
      %add3A_120 = arith.addi %mul3A_0, %add3A_119 : i32
      %dma_start3A_121 = arith.constant 0 : i32
      %dma_start3A_122 = tpu.memref_slice %arg11[%add3A_120, %dma_start3A_121] : memref<10000x128xf32, #tpu.memory_space<vmem_shared>> -> memref<128x128xf32, #tpu.memory_space<vmem_shared>>
      %dma_start3A_123 = arith.constant 0 : i32
      %dma_start3A_124 = tpu.memref_slice %arg11[%add3A_120, %dma_start3A_123] : memref<10000x128xf32, #tpu.memory_space<vmem_shared>> -> memref<128x128xf32, #tpu.memory_space<vmem_shared>>
      tpu.enqueue_dma source(%dma_start3A_124 : memref<128x128xf32, #tpu.memory_space<vmem_shared>>) target(%arg17 : memref<128x128xf32, #tpu.memory_space<vmem>>) target_semaphore(%arg26 : memref<!tpu.dma_semaphore, #tpu.memory_space<semaphore_mem>>)
      %add3A_125 = arith.constant 256 : i32
      %add3A_126 = arith.addi %mul3A_0, %add3A_125 : i32
      %dma_start3A_127 = arith.constant 0 : i32
      %dma_start3A_128 = tpu.memref_slice %arg8[%add3A_126, %dma_start3A_127] : memref<10000x128xf32, #tpu.memory_space<hbm>> -> memref<128x128xf32, #tpu.memory_space<hbm>>
      %dma_start3A_129 = arith.constant 0 : i32
      %dma_start3A_130 = tpu.memref_slice %arg8[%add3A_126, %dma_start3A_129] : memref<10000x128xf32, #tpu.memory_space<hbm>> -> memref<128x128xf32, #tpu.memory_space<hbm>>
      tpu.enqueue_dma source(%arg16 : memref<128x128xf32, #tpu.memory_space<vmem>>) target(%dma_start3A_130 : memref<128x128xf32, #tpu.memory_space<hbm>>) target_semaphore(%arg28 : memref<!tpu.dma_semaphore, #tpu.memory_space<semaphore_mem>>)
      %add3A_131 = arith.constant 384 : i32
      %add3A_132 = arith.addi %mul3A_0, %add3A_131 : i32
      %dma_wait3A_133 = arith.constant 0 : i32
      %dma_wait3A_134 = tpu.memref_slice %arg11[%add3A_132, %dma_wait3A_133] : memref<10000x128xf32, #tpu.memory_space<vmem_shared>> -> memref<128x128xf32, #tpu.memory_space<vmem_shared>>
      %dma_wait3A_135 = arith.constant 0 : i32
      %dma_wait3A_136 = tpu.memref_slice %arg11[%add3A_132, %dma_wait3A_135] : memref<10000x128xf32, #tpu.memory_space<vmem_shared>> -> memref<128x128xf32, #tpu.memory_space<vmem_shared>>
      tpu.wait_dma2 semaphore(%arg26 : memref<!tpu.dma_semaphore, #tpu.memory_space<semaphore_mem>>) src(%dma_wait3A_136 : memref<128x128xf32, #tpu.memory_space<vmem_shared>>) dst(%arg17 : memref<128x128xf32, #tpu.memory_space<vmem>>)
      %add3A_137 = arith.constant 256 : i32
      %add3A_138 = arith.addi %mul3A_0, %add3A_137 : i32
      %dma_wait3A_139 = arith.constant 0 : i32
      %dma_wait3A_140 = tpu.memref_slice %arg8[%add3A_138, %dma_wait3A_139] : memref<10000x128xf32, #tpu.memory_space<hbm>> -> memref<128x128xf32, #tpu.memory_space<hbm>>
      %dma_wait3A_141 = arith.constant 0 : i32
      %dma_wait3A_142 = tpu.memref_slice %arg8[%add3A_138, %dma_wait3A_141] : memref<10000x128xf32, #tpu.memory_space<hbm>> -> memref<128x128xf32, #tpu.memory_space<hbm>>
      tpu.wait_dma2 semaphore(%arg28 : memref<!tpu.dma_semaphore, #tpu.memory_space<semaphore_mem>>) src(%arg16 : memref<128x128xf32, #tpu.memory_space<vmem>>) dst(%dma_wait3A_142 : memref<128x128xf32, #tpu.memory_space<hbm>>)
      %add3A_143 = arith.constant 512 : i32
      %add3A_144 = arith.addi %mul3A_0, %add3A_143 : i32
      %dma_start3A_145 = arith.constant 0 : i32
      %dma_start3A_146 = tpu.memref_slice %arg11[%add3A_144, %dma_start3A_145] : memref<10000x128xf32, #tpu.memory_space<vmem_shared>> -> memref<128x128xf32, #tpu.memory_space<vmem_shared>>
      %dma_start3A_147 = arith.constant 0 : i32
      %dma_start3A_148 = tpu.memref_slice %arg11[%add3A_144, %dma_start3A_147] : memref<10000x128xf32, #tpu.memory_space<vmem_shared>> -> memref<128x128xf32, #tpu.memory_space<vmem_shared>>
      tpu.enqueue_dma source(%dma_start3A_148 : memref<128x128xf32, #tpu.memory_space<vmem_shared>>) target(%arg16 : memref<128x128xf32, #tpu.memory_space<vmem>>) target_semaphore(%arg25 : memref<!tpu.dma_semaphore, #tpu.memory_space<semaphore_mem>>)
      %add3A_149 = arith.constant 384 : i32
      %add3A_150 = arith.addi %mul3A_0, %add3A_149 : i32
      %dma_start3A_151 = arith.constant 0 : i32
      %dma_start3A_152 = tpu.memref_slice %arg8[%add3A_150, %dma_start3A_151] : memref<10000x128xf32, #tpu.memory_space<hbm>> -> memref<128x128xf32, #tpu.memory_space<hbm>>
      %dma_start3A_153 = arith.constant 0 : i32
      %dma_start3A_154 = tpu.memref_slice %arg8[%add3A_150, %dma_start3A_153] : memref<10000x128xf32, #tpu.memory_space<hbm>> -> memref<128x128xf32, #tpu.memory_space<hbm>>
      tpu.enqueue_dma source(%arg17 : memref<128x128xf32, #tpu.memory_space<vmem>>) target(%dma_start3A_154 : memref<128x128xf32, #tpu.memory_space<hbm>>) target_semaphore(%arg29 : memref<!tpu.dma_semaphore, #tpu.memory_space<semaphore_mem>>)
      %add3A_155 = arith.constant 512 : i32
      %add3A_156 = arith.addi %mul3A_0, %add3A_155 : i32
      %dma_wait3A_157 = arith.constant 0 : i32
      %dma_wait3A_158 = tpu.memref_slice %arg11[%add3A_156, %dma_wait3A_157] : memref<10000x128xf32, #tpu.memory_space<vmem_shared>> -> memref<128x128xf32, #tpu.memory_space<vmem_shared>>
      %dma_wait3A_159 = arith.constant 0 : i32
      %dma_wait3A_160 = tpu.memref_slice %arg11[%add3A_156, %dma_wait3A_159] : memref<10000x128xf32, #tpu.memory_space<vmem_shared>> -> memref<128x128xf32, #tpu.memory_space<vmem_shared>>
      tpu.wait_dma2 semaphore(%arg25 : memref<!tpu.dma_semaphore, #tpu.memory_space<semaphore_mem>>) src(%dma_wait3A_160 : memref<128x128xf32, #tpu.memory_space<vmem_shared>>) dst(%arg16 : memref<128x128xf32, #tpu.memory_space<vmem>>)
      %add3A_161 = arith.constant 512 : i32
      %add3A_162 = arith.addi %mul3A_0, %add3A_161 : i32
      %dma_start3A_163 = arith.constant 0 : i32
      %dma_start3A_164 = tpu.memref_slice %arg8[%add3A_162, %dma_start3A_163] : memref<10000x128xf32, #tpu.memory_space<hbm>> -> memref<128x128xf32, #tpu.memory_space<hbm>>
      %dma_start3A_165 = arith.constant 0 : i32
      %dma_start3A_166 = tpu.memref_slice %arg8[%add3A_162, %dma_start3A_165] : memref<10000x128xf32, #tpu.memory_space<hbm>> -> memref<128x128xf32, #tpu.memory_space<hbm>>
      tpu.enqueue_dma source(%arg16 : memref<128x128xf32, #tpu.memory_space<vmem>>) target(%dma_start3A_166 : memref<128x128xf32, #tpu.memory_space<hbm>>) target_semaphore(%arg28 : memref<!tpu.dma_semaphore, #tpu.memory_space<semaphore_mem>>)
      "tpu.region"() ({
        %run_scoped3A = tpu.sem_alloc : memref<!tpu.dma_semaphore, #tpu.memory_space<semaphore_mem>>
        %dma_start3A_179 = tpu.memref_slice %arg12[%mul3A_0] : memref<10000xf32, #tpu.memory_space<vmem_shared>> -> memref<640xf32, #tpu.memory_space<vmem_shared>>
        %dma_start3A_180 = tpu.memref_slice %arg12[%mul3A_0] : memref<10000xf32, #tpu.memory_space<vmem_shared>> -> memref<640xf32, #tpu.memory_space<vmem_shared>>
        tpu.enqueue_dma source(%dma_start3A_180 : memref<640xf32, #tpu.memory_space<vmem_shared>>) target(%arg20 : memref<640xf32, #tpu.memory_space<vmem>>) target_semaphore(%run_scoped3A : memref<!tpu.dma_semaphore, #tpu.memory_space<semaphore_mem>>)
        %dma_wait3A_181 = tpu.memref_slice %arg12[%mul3A_0] : memref<10000xf32, #tpu.memory_space<vmem_shared>> -> memref<640xf32, #tpu.memory_space<vmem_shared>>
        %dma_wait3A_182 = tpu.memref_slice %arg12[%mul3A_0] : memref<10000xf32, #tpu.memory_space<vmem_shared>> -> memref<640xf32, #tpu.memory_space<vmem_shared>>
        tpu.wait_dma2 semaphore(%run_scoped3A : memref<!tpu.dma_semaphore, #tpu.memory_space<semaphore_mem>>) src(%dma_wait3A_182 : memref<640xf32, #tpu.memory_space<vmem_shared>>) dst(%arg20 : memref<640xf32, #tpu.memory_space<vmem>>)
        tpu.yield
      }) : () -> ()
      "tpu.region"() ({
        %run_scoped3A = tpu.sem_alloc : memref<!tpu.dma_semaphore, #tpu.memory_space<semaphore_mem>>
        %dma_start3A_179 = tpu.memref_slice %arg10[%mul3A_0] : memref<10000xf32, #tpu.memory_space<hbm>> -> memref<640xf32, #tpu.memory_space<hbm>>
        %dma_start3A_180 = tpu.memref_slice %arg10[%mul3A_0] : memref<10000xf32, #tpu.memory_space<hbm>> -> memref<640xf32, #tpu.memory_space<hbm>>
        tpu.enqueue_dma source(%arg20 : memref<640xf32, #tpu.memory_space<vmem>>) target(%dma_start3A_180 : memref<640xf32, #tpu.memory_space<hbm>>) target_semaphore(%run_scoped3A : memref<!tpu.dma_semaphore, #tpu.memory_space<semaphore_mem>>)
        %dma_wait3A_181 = tpu.memref_slice %arg10[%mul3A_0] : memref<10000xf32, #tpu.memory_space<hbm>> -> memref<640xf32, #tpu.memory_space<hbm>>
        %dma_wait3A_182 = tpu.memref_slice %arg10[%mul3A_0] : memref<10000xf32, #tpu.memory_space<hbm>> -> memref<640xf32, #tpu.memory_space<hbm>>
        tpu.wait_dma2 semaphore(%run_scoped3A : memref<!tpu.dma_semaphore, #tpu.memory_space<semaphore_mem>>) src(%arg20 : memref<640xf32, #tpu.memory_space<vmem>>) dst(%dma_wait3A_182 : memref<640xf32, #tpu.memory_space<hbm>>)
        tpu.yield
      }) : () -> ()
      %add3A_167 = arith.constant 384 : i32
      %add3A_168 = arith.addi %mul3A_0, %add3A_167 : i32
      %dma_wait3A_169 = arith.constant 0 : i32
      %dma_wait3A_170 = tpu.memref_slice %arg8[%add3A_168, %dma_wait3A_169] : memref<10000x128xf32, #tpu.memory_space<hbm>> -> memref<128x128xf32, #tpu.memory_space<hbm>>
      %dma_wait3A_171 = arith.constant 0 : i32
      %dma_wait3A_172 = tpu.memref_slice %arg8[%add3A_168, %dma_wait3A_171] : memref<10000x128xf32, #tpu.memory_space<hbm>> -> memref<128x128xf32, #tpu.memory_space<hbm>>
      tpu.wait_dma2 semaphore(%arg29 : memref<!tpu.dma_semaphore, #tpu.memory_space<semaphore_mem>>) src(%arg17 : memref<128x128xf32, #tpu.memory_space<vmem>>) dst(%dma_wait3A_172 : memref<128x128xf32, #tpu.memory_space<hbm>>)
      %add3A_173 = arith.constant 512 : i32
      %add3A_174 = arith.addi %mul3A_0, %add3A_173 : i32
      %dma_wait3A_175 = arith.constant 0 : i32
      %dma_wait3A_176 = tpu.memref_slice %arg8[%add3A_174, %dma_wait3A_175] : memref<10000x128xf32, #tpu.memory_space<hbm>> -> memref<128x128xf32, #tpu.memory_space<hbm>>
      %dma_wait3A_177 = arith.constant 0 : i32
      %dma_wait3A_178 = tpu.memref_slice %arg8[%add3A_174, %dma_wait3A_177] : memref<10000x128xf32, #tpu.memory_space<hbm>> -> memref<128x128xf32, #tpu.memory_space<hbm>>
      tpu.wait_dma2 semaphore(%arg28 : memref<!tpu.dma_semaphore, #tpu.memory_space<semaphore_mem>>) src(%arg16 : memref<128x128xf32, #tpu.memory_space<vmem>>) dst(%dma_wait3A_178 : memref<128x128xf32, #tpu.memory_space<hbm>>)
    } else {
    }
    return
  }
}

module attributes {stable_mosaic.version = 14 : i64} {
  func.func @_readout_body(%arg0: i32, %arg1: memref<5000x128xf32, #tpu.memory_space<vmem>>, %arg2: memref<5000x128xf32, #tpu.memory_space<vmem>>, %arg3: memref<5000x1xf32, #tpu.memory_space<vmem>>, %arg4: memref<5000x1xf32, #tpu.memory_space<vmem>>, %arg5: memref<1x128xf32, #tpu.memory_space<vmem>>, %arg6: memref<1x128xf32, #tpu.memory_space<vmem>>, %arg7: memref<1x128xf32, #tpu.memory_space<vmem>>, %arg8: memref<1x128xf32, #tpu.memory_space<vmem>>, %arg9: memref<128x128xf32, #tpu.memory_space<vmem>>, %arg10: memref<1x128xf32, #tpu.memory_space<vmem>>, %arg11: memref<5000x128xf32, #tpu.memory_space<vmem>>) attributes {dimension_semantics = [#tpu.dimension_semantics<arbitrary>], iteration_bounds = array<i64: 2>, scalar_prefetch = 0 : i64, scratch_operands = 0 : i64, tpu.core_type = #tpu.core_type<tc>, window_params = [{transform_indices = @transform_0, window_bounds = array<i64: 5000, 128>}, {transform_indices = @transform_1, window_bounds = array<i64: 5000, 128>}, {transform_indices = @transform_2, window_bounds = array<i64: 5000, 1>}, {transform_indices = @transform_3, window_bounds = array<i64: 5000, 1>}, {pipeline_mode = #tpu.pipeline_mode<synchronous>, transform_indices = @transform_4, window_bounds = array<i64: 1, 128>}, {pipeline_mode = #tpu.pipeline_mode<synchronous>, transform_indices = @transform_5, window_bounds = array<i64: 1, 128>}, {pipeline_mode = #tpu.pipeline_mode<synchronous>, transform_indices = @transform_6, window_bounds = array<i64: 1, 128>}, {pipeline_mode = #tpu.pipeline_mode<synchronous>, transform_indices = @transform_7, window_bounds = array<i64: 1, 128>}, {pipeline_mode = #tpu.pipeline_mode<synchronous>, transform_indices = @transform_8, window_bounds = array<i64: 128, 128>}, {pipeline_mode = #tpu.pipeline_mode<synchronous>, transform_indices = @transform_9, window_bounds = array<i64: 1, 128>}, {transform_indices = @transform_10, window_bounds = array<i64: 5000, 128>}]} {
    %get3A = arith.constant 0 : index
    %get3A_0 = arith.constant 0 : index
    %get3A_1 = vector.load %arg3[%get3A, %get3A_0] : memref<5000x1xf32, #tpu.memory_space<vmem>>, vector<5000x1xf32>
    %get3A_2 = arith.constant 0 : index
    %get3A_3 = arith.constant 0 : index
    %get3A_4 = vector.load %arg4[%get3A_2, %get3A_3] : memref<5000x1xf32, #tpu.memory_space<vmem>>, vector<5000x1xf32>
    %get3A_5 = arith.constant 0 : index
    %get3A_6 = arith.constant 0 : index
    %get3A_7 = vector.load %arg1[%get3A_5, %get3A_6] : memref<5000x128xf32, #tpu.memory_space<vmem>>, vector<5000x128xf32>
    %max3A = arith.constant 1.000000e+00 : f32
    %max3A_8 = vector.broadcast %max3A : f32 to vector<5000x1xf32>
    %max3A_9 = arith.maximumf %get3A_1, %max3A_8 : vector<5000x1xf32>
    %div3A = vector.broadcast %max3A_9 : vector<5000x1xf32> to vector<5000x128xf32>
    %div3A_10 = arith.divf %get3A_7, %div3A : vector<5000x128xf32>
    %get3A_11 = arith.constant 0 : index
    %get3A_12 = arith.constant 0 : index
    %get3A_13 = vector.load %arg2[%get3A_11, %get3A_12] : memref<5000x128xf32, #tpu.memory_space<vmem>>, vector<5000x128xf32>
    %max3A_14 = arith.constant 1.000000e+00 : f32
    %max3A_15 = vector.broadcast %max3A_14 : f32 to vector<5000x1xf32>
    %max3A_16 = arith.maximumf %get3A_4, %max3A_15 : vector<5000x1xf32>
    %div3A_17 = vector.broadcast %max3A_16 : vector<5000x1xf32> to vector<5000x128xf32>
    %div3A_18 = arith.divf %get3A_13, %div3A_17 : vector<5000x128xf32>
    %gt3A = arith.constant 0.000000e+00 : f32
    %gt3A_19 = vector.broadcast %gt3A : f32 to vector<5000x1xf32>
    %gt3A_20 = arith.cmpf ogt, %get3A_1, %gt3A_19 : vector<5000x1xf32>
    %convert_element_type3A = arith.extui %gt3A_20 : vector<5000x1xi1> to vector<5000x1xi32>
    %convert_element_type3A_21 = arith.sitofp %convert_element_type3A : vector<5000x1xi32> to vector<5000x1xf32>
    %gt3A_22 = arith.constant 0.000000e+00 : f32
    %gt3A_23 = vector.broadcast %gt3A_22 : f32 to vector<5000x1xf32>
    %gt3A_24 = arith.cmpf ogt, %get3A_4, %gt3A_23 : vector<5000x1xf32>
    %convert_element_type3A_25 = arith.extui %gt3A_24 : vector<5000x1xi1> to vector<5000x1xi32>
    %convert_element_type3A_26 = arith.sitofp %convert_element_type3A_25 : vector<5000x1xi32> to vector<5000x1xf32>
    %add3A = arith.addf %convert_element_type3A_21, %convert_element_type3A_26 : vector<5000x1xf32>
    %max3A_27 = arith.constant 1.000000e+00 : f32
    %max3A_28 = vector.broadcast %max3A_27 : f32 to vector<5000x1xf32>
    %max3A_29 = arith.maximumf %add3A, %max3A_28 : vector<5000x1xf32>
    %mul3A = vector.broadcast %convert_element_type3A_21 : vector<5000x1xf32> to vector<5000x128xf32>
    %mul3A_30 = arith.mulf %div3A_10, %mul3A : vector<5000x128xf32>
    %mul3A_31 = vector.broadcast %convert_element_type3A_26 : vector<5000x1xf32> to vector<5000x128xf32>
    %mul3A_32 = arith.mulf %div3A_18, %mul3A_31 : vector<5000x128xf32>
    %add3A_33 = arith.addf %mul3A_30, %mul3A_32 : vector<5000x128xf32>
    %div3A_34 = vector.broadcast %max3A_29 : vector<5000x1xf32> to vector<5000x128xf32>
    %div3A_35 = arith.divf %add3A_33, %div3A_34 : vector<5000x128xf32>
    %get3A_36 = arith.constant 0 : index
    %get3A_37 = arith.constant 0 : index
    %get3A_38 = vector.load %arg7[%get3A_36, %get3A_37] : memref<1x128xf32, #tpu.memory_space<vmem>>, vector<1x128xf32>
    %sub3A = vector.broadcast %get3A_38 : vector<1x128xf32> to vector<5000x128xf32>
    %sub3A_39 = arith.subf %div3A_35, %sub3A : vector<5000x128xf32>
    %get3A_40 = arith.constant 0 : index
    %get3A_41 = arith.constant 0 : index
    %get3A_42 = vector.load %arg8[%get3A_40, %get3A_41] : memref<1x128xf32, #tpu.memory_space<vmem>>, vector<1x128xf32>
    %add3A_43 = arith.constant 9.99999974E-6 : f32
    %add3A_44 = vector.broadcast %add3A_43 : f32 to vector<1x128xf32>
    %add3A_45 = arith.addf %get3A_42, %add3A_44 : vector<1x128xf32>
    %rsqrt3A = math.rsqrt %add3A_45 : vector<1x128xf32>
    %mul3A_46 = vector.broadcast %rsqrt3A : vector<1x128xf32> to vector<5000x128xf32>
    %mul3A_47 = arith.mulf %sub3A_39, %mul3A_46 : vector<5000x128xf32>
    %get3A_48 = arith.constant 0 : index
    %get3A_49 = arith.constant 0 : index
    %get3A_50 = vector.load %arg5[%get3A_48, %get3A_49] : memref<1x128xf32, #tpu.memory_space<vmem>>, vector<1x128xf32>
    %mul3A_51 = vector.broadcast %get3A_50 : vector<1x128xf32> to vector<5000x128xf32>
    %mul3A_52 = arith.mulf %mul3A_47, %mul3A_51 : vector<5000x128xf32>
    %get3A_53 = arith.constant 0 : index
    %get3A_54 = arith.constant 0 : index
    %get3A_55 = vector.load %arg6[%get3A_53, %get3A_54] : memref<1x128xf32, #tpu.memory_space<vmem>>, vector<1x128xf32>
    %add3A_56 = vector.broadcast %get3A_55 : vector<1x128xf32> to vector<5000x128xf32>
    %add3A_57 = arith.addf %mul3A_52, %add3A_56 : vector<5000x128xf32>
    %get3A_58 = arith.constant 0 : index
    %get3A_59 = arith.constant 0 : index
    %get3A_60 = vector.load %arg9[%get3A_58, %get3A_59] : memref<128x128xf32, #tpu.memory_space<vmem>>, vector<128x128xf32>
    %dot_general3A = arith.constant dense<0.000000e+00> : vector<5000x128xf32>
    %dot_general3A_61 = tpu.matmul %add3A_57, %get3A_60, %dot_general3A {dimension_numbers = #tpu.dot_dimension_numbers<[1], [0], [0], [1], [0, 0, 1, 1], [], []>, transpose_lhs_hint = false} : vector<5000x128xf32>, vector<128x128xf32>, vector<5000x128xf32> -> vector<5000x128xf32>
    %get3A_62 = arith.constant 0 : index
    %get3A_63 = arith.constant 0 : index
    %get3A_64 = vector.load %arg10[%get3A_62, %get3A_63] : memref<1x128xf32, #tpu.memory_space<vmem>>, vector<1x128xf32>
    %add3A_65 = vector.broadcast %get3A_64 : vector<1x128xf32> to vector<5000x128xf32>
    %add3A_66 = arith.addf %dot_general3A_61, %add3A_65 : vector<5000x128xf32>
    %max3A_67 = arith.constant 0.000000e+00 : f32
    %max3A_68 = vector.broadcast %max3A_67 : f32 to vector<5000x128xf32>
    %max3A_69 = arith.maximumf %add3A_66, %max3A_68 : vector<5000x128xf32>
    %swap3A = arith.constant 0 : index
    %swap3A_70 = arith.constant 0 : index
    %swap3A_71 = vector.load %arg11[%swap3A, %swap3A_70] : memref<5000x128xf32, #tpu.memory_space<vmem>>, vector<5000x128xf32>
    tpu.vector_store %arg11[%swap3A, %swap3A_70], %max3A_69 {strides = array<i32>} : memref<5000x128xf32, #tpu.memory_space<vmem>>, vector<5000x128xf32>,
    return
  }
  func.func @transform_0(%arg0: i32) -> (i32, i32) {
    %c0_i32 = arith.constant 0 : i32
    %c0_i32_0 = arith.constant 0 : i32
    return %arg0, %c0_i32 : i32, i32
  }
  func.func @transform_1(%arg0: i32) -> (i32, i32) {
    %c0_i32 = arith.constant 0 : i32
    %c0_i32_0 = arith.constant 0 : i32
    return %arg0, %c0_i32 : i32, i32
  }
  func.func @transform_2(%arg0: i32) -> (i32, i32) {
    %c0_i32 = arith.constant 0 : i32
    %c0_i32_0 = arith.constant 0 : i32
    return %arg0, %c0_i32 : i32, i32
  }
  func.func @transform_3(%arg0: i32) -> (i32, i32) {
    %c0_i32 = arith.constant 0 : i32
    %c0_i32_0 = arith.constant 0 : i32
    return %arg0, %c0_i32 : i32, i32
  }
  func.func @transform_4(%arg0: i32) -> (i32, i32) {
    %c0_i32 = arith.constant 0 : i32
    %c0_i32_0 = arith.constant 0 : i32
    %c0_i32_1 = arith.constant 0 : i32
    return %c0_i32, %c0_i32_0 : i32, i32
  }
  func.func @transform_5(%arg0: i32) -> (i32, i32) {
    %c0_i32 = arith.constant 0 : i32
    %c0_i32_0 = arith.constant 0 : i32
    %c0_i32_1 = arith.constant 0 : i32
    return %c0_i32, %c0_i32_0 : i32, i32
  }
  func.func @transform_6(%arg0: i32) -> (i32, i32) {
    %c0_i32 = arith.constant 0 : i32
    %c0_i32_0 = arith.constant 0 : i32
    %c0_i32_1 = arith.constant 0 : i32
    return %c0_i32, %c0_i32_0 : i32, i32
  }
  func.func @transform_7(%arg0: i32) -> (i32, i32) {
    %c0_i32 = arith.constant 0 : i32
    %c0_i32_0 = arith.constant 0 : i32
    %c0_i32_1 = arith.constant 0 : i32
    return %c0_i32, %c0_i32_0 : i32, i32
  }
  func.func @transform_8(%arg0: i32) -> (i32, i32) {
    %c0_i32 = arith.constant 0 : i32
    %c0_i32_0 = arith.constant 0 : i32
    %c0_i32_1 = arith.constant 0 : i32
    return %c0_i32, %c0_i32_0 : i32, i32
  }
  func.func @transform_9(%arg0: i32) -> (i32, i32) {
    %c0_i32 = arith.constant 0 : i32
    %c0_i32_0 = arith.constant 0 : i32
    %c0_i32_1 = arith.constant 0 : i32
    return %c0_i32, %c0_i32_0 : i32, i32
  }
  func.func @transform_10(%arg0: i32) -> (i32, i32) {
    %c0_i32 = arith.constant 0 : i32
    %c0_i32_0 = arith.constant 0 : i32
    return %arg0, %c0_i32 : i32, i32
  }
}

</mosaic_0001>

<sc_bundles>
// kernel: kernel.4.cloned.1.call-start
scs
__scs_entry_jumppad:
0x0: {  	(pc) =	sbr.rel $0x88, $3  }
0x1: {  	(tag) =	ssettag $0x0;
	lr =	simm.s32 $0x1  }
0x2: {  	[smem:$0x3F97] =	sst lr;
	_ =	strace $0xD0000000  }
0x3: {  	_ = 	snop  }
0x4: {  	_ = 	snop  }
0x5: {  	_ = 	snop  }
0x6: {  	_ = 	snop  }
0x7: {  	_ = 	snop  }
__scs_overlays_trampoline_lowered:
0x8: {  	[smem:$0x3FA6] =	sst s0  }
0x9: {  	[smem:$0x3FA7] =	sst s1  }
0xa: {  	[smem:$0x3FA8] =	sst s2  }
0xb: {  	[smem:$0x3FA9] =	sst s3  }
0xc: {  	[smem:$0x3FAA] =	sst s4  }
0xd: {  	[smem:$0x3FAB] =	sst s5  }
0xe: {  	[smem:$0x3FAC] =	sst s6  }
0xf: {  	[smem:$0x3FAD] =	sst s7  }
0x10: {  	[smem:$0x3FAE] =	sst s8  }
0x11: {  	[smem:$0x3FAF] =	sst s9;
	s0 =	simm.s32 @!p0 $0x0  }
0x12: {  	s1 =	sld [smem:$0x3F95];
	s0 =	simm.s32 @p0 $0x1  }
0x13: {  	[smem:$0x3FB0] =	sst s0;
	s0 =	simm.s32 @!p1 $0x0  }
0x14: {  	s2 =	sld [smem:$0x3F94];
	s0 =	simm.s32 @p1 $0x1  }
0x15: {  	[smem:$0x3FB1] =	sst s0;
	s0 =	simm.s32 @!p2 $0x0  }
0x16: {  	s3 =	sld [smem:$0x3FDB];
	s0 =	simm.s32 @p2 $0x1  }
0x17: {  	s4 =	simm.s32 $0x1BF5;
	[smem:$0x3FB3] =	sst s0  }
0x18: {  	s0 =	sld [smem:$0x3F96];
	_ =	swait.ge [sflag:s4], $0x0  }
0x19: {  	s7 =	sld [smem:$0x3F97]  }
0x1a: {  	s8 =	sadd.s32 $0xFFFFE003, lr  }
0x1b: {  	s9 =	sadd.s32 $0xFFFFFEF7, lr;
	s5 =	simm.s32 $0xFFFFFFFF;
	p2 =	slt.u32 s8, $0xFFFFF086  }
0x1c: {  	p1 =	slt.u32 s9, $0xF7A;
	s5 =	simm.s32 @!p2 $0x0  }
0x1d: {  	s5 =	simm.s32 @p1 $0x1;
	p0 =	seq.s32 s7, s2  }
0x1e: {  	s7 =	smul.u32 @!p0 $0xF7A, s2;
	p2 =	seq.s32 @!p0 s5, $0x0  }
0x1f: {  	s9 =	smul.u32 $0xF7A, s1;
	s8 =	simm.s32 @!p0 $0x1BF5;
	p2 =	por !p2, p0  }
0x20: {  	[sflag:s8] =	ssyncset.s32 @!p0 $0xFFFFF086;
	s6 =	sadd.s32 @!p0 s3, s7;
	s7 =	simm.s32 @!p0 $0x108  }
0x21: {  	s3 =	sadd.s32 s3, s9;
	s6 =	sadd.s32 @!p0 $0x88, s6;
	s7 =	simm.s32 @p2 $0x1082  }
0x22: {  	[simem:s7], [sflag:s8] =	dma.local @!p0 [hbm:s6], $0xF7A  }
0x23: {  	s9 =	sor.u32 $0xD0000000, s2;
	s6 =	simm.s32 $0x108;
	_ =	swait.ge @!p0 [sflag:s8], $0x0  }
0x24: {  	s3 =	sadd.s32 $0x88, s3;
	s6 =	simm.s32 @!p1 $0x1082;
	[sflag:s4] =	ssyncset.s32 $0xFFFFF086  }
0x25: {  	[simem:s6], [sflag:s4] =	dma.local [hbm:s3], $0xF7A  }
0x26: {  	[smem:$0x3F97] =	sst s1;
	(tag) =	ssettag s2;
	_ =	strace s9  }
0x27: {  	s1 =	sld [smem:$0x3FA7]  }
0x28: {  	s2 =	sld [smem:$0x3FA8]  }
0x29: {  	s4 =	sld [smem:$0x3FAA]  }
0x2a: {  	p0 =	seq.s32 s5, $0x0;
	s5 =	sld [smem:$0x3FAB]  }
0x2b: {  	s6 =	sld [smem:$0x3FAC]  }
0x2c: {  	s7 =	sld [smem:$0x3FAD]  }
0x2d: {  	s3 =	simm.s32 $0x108;
	s8 =	sld [smem:$0x3FAE]  }
0x2e: {  	s3 =	simm.s32 @!p0 $0x1082;
	s9 =	sld [smem:$0x3FAF]  }
0x2f: {  	lr =	sadd.s32 s0, s3;
	s0 =	sld [smem:$0x3FA6]  }
0x30: {  	s3 =	sld [smem:$0x3FA9]  }
0x31: {  	[smem:$0x3FB2] =	sst s10  }
0x32: {  	s10 =	sld [smem:$0x3FB0];
	_ =	sdelay $0x3  }
0x33: {  	p0 =	seq.s32 s10, $0x1;
	s10 =	sld [smem:$0x3FB2];
	_ =	sdelay $0x3  }
0x34: {  	[smem:$0x3FB2] =	sst s10  }
0x35: {  	s10 =	sld [smem:$0x3FB1];
	_ =	sdelay $0x3  }
0x36: {  	p1 =	seq.s32 s10, $0x1;
	s10 =	sld [smem:$0x3FB2];
	_ =	sdelay $0x3  }
0x37: {  	[smem:$0x3FB2] =	sst s10  }
0x38: {  	s10 =	sld [smem:$0x3FB3]  }
0x39: {  	_ = 	snop;
	(pc) =	sbr.ind lr, $3  }
0x3a: {  	_ = 	snop  }
0x3b: {  	_ = 	snop  }
0x3c: {  	p2 =	seq.s32 s10, $0x1;
	s10 =	sld [smem:$0x3FB2]  }
0x3d: {  	_ =	shalt  }
0x3e: {  	_ =	shalt  }
0x3f: {  	_ =	shalt  }
0x40: {  	_ =	shalt  }
0x41: {  	_ =	shalt  }
0x42: {  	_ =	shalt  }
0x43: {  	_ =	shalt  }
0x44: {  	_ =	shalt  }
0x45: {  	_ =	shalt  }
0x46: {  	_ =	shalt  }
0x47: {  	_ =	shalt  }
0x48: {  	_ =	shalt  }
0x49: {  	_ =	shalt  }
0x4a: {  	_ =	shalt  }
0x4b: {  	_ =	shalt  }
0x4c: {  	_ =	shalt  }
0x4d: {  	_ =	shalt  }
0x4e: {  	_ =	shalt  }
0x4f: {  	_ =	shalt  }
0x50: {  	_ =	shalt  }
0x51: {  	_ =	shalt  }
0x52: {  	_ =	shalt  }
0x53: {  	_ =	shalt  }
0x54: {  	_ =	shalt  }
0x55: {  	_ =	shalt  }
0x56: {  	_ =	shalt  }
0x57: {  	_ =	shalt  }
0x58: {  	_ =	shalt  }
0x59: {  	_ =	shalt  }
0x5a: {  	_ =	shalt  }
0x5b: {  	_ =	shalt  }
0x5c: {  	_ =	shalt  }
0x5d: {  	_ =	shalt  }
0x5e: {  	_ =	shalt  }
0x5f: {  	_ =	shalt  }
0x60: {  	_ =	shalt  }
0x61: {  	_ =	shalt  }
0x62: {  	_ =	shalt  }
0x63: {  	_ =	shalt  }
0x64: {  	_ =	shalt  }
0x65: {  	_ =	shalt  }
0x66: {  	_ =	shalt  }
0x67: {  	_ =	shalt  }
0x68: {  	_ =	shalt  }
0x69: {  	_ =	shalt  }
0x6a: {  	_ =	shalt  }
0x6b: {  	_ =	shalt  }
0x6c: {  	_ =	shalt  }
0x6d: {  	_ =	shalt  }
0x6e: {  	_ =	shalt  }
0x6f: {  	_ =	shalt  }
0x70: {  	_ =	shalt  }
0x71: {  	_ =	shalt  }
0x72: {  	_ =	shalt  }
0x73: {  	_ =	shalt  }
0x74: {  	_ =	shalt  }
0x75: {  	_ =	shalt  }
0x76: {  	_ =	shalt  }
0x77: {  	_ =	shalt  }
0x78: {  	_ =	shalt  }
0x79: {  	_ =	shalt  }
0x7a: {  	_ =	shalt  }
0x7b: {  	_ =	shalt  }
0x7c: {  	_ =	shalt  }
0x7d: {  	_ =	shalt  }
0x7e: {  	_ =	shalt  }
0x7f: {  	_ =	shalt  }
0x80: {  	_ =	shalt  }
0x81: {  	_ =	shalt  }
0x82: {  	_ =	shalt  }
0x83: {  	_ =	shalt  }
0x84: {  	_ =	shalt  }
0x85: {  	_ =	shalt  }
0x86: {  	_ =	shalt  }
0x87: {  	_ =	shalt  }
.Lfunc_end0:
.L_simem_size_0:
called_computation_lowered:
.L_overlay_start_0:
0x88: {  	s2 =	sld [smem:$0x3FD9]  }
0x89: {  	s3 =	sld [smem:$0x3FFE];
	_ =	sdelay $0x1  }
0x8a: {  	s1 =	srdreg.scid  }
0x8b: {  	s0 =	sand.u32 $0x1, s1  }
0x8c: {  	s17 =	sshll.u32 s0, $0xA;
	s2 =	sadd.s32 s3, s2  }
0x8d: {  	s2 =	sadd.s32 s2, s17  }
0x8e: {  	[smem:$0x3FBE] =	sst s2  }
0x8f: {  	_ = 	snop  }
0x90: {  	s2 =	sld [smem:$0x3FC9]  }
0x91: {  	s18 =	sld [smem:$0x3FC8]  }
0x92: {  	s4 =	sld [smem:$0x3FC7]  }
0x93: {  	s5 =	sld [smem:$0x3FC6]  }
0x94: {  	s6 =	sld [smem:$0x3FD0];
	(tm) =	ssettm $0x1  }
0x95: {  	s7 =	sld [smem:$0x3FFB];
	_ =	sdelay $0x3  }
0x96: {  	_ =	strace s7  }
0x97: {  	s7 =	sld [smem:$0x3FFC];
	_ =	sdelay $0x3  }
0x98: {  	_ =	strace s7  }
0x99: {  	s7 =	sld [smem:$0x3FFD];
	_ =	sdelay $0x3  }
0x9a: {  	_ =	strace s7  }
0x9b: {  	_ =	strace $0x8FFFFFFF  }
0x9c: {  	s19 =	sld [smem:$0x3FDB];
	_ =	sdelay $0x1  }
0x9d: {  	s8 =	simm.s32 $_scs_section_size  }
0x9e: {  	s9 =	simm.s32 $_size__tile_overlayer_lowered;
	s10 =	simm.s32 $_tile_overlayer_lowered  }
0x9f: {  	s22 =	simm.s32 $0x1BFF;
	s21 =	sshll.u32 s10, $0x1;
	s7 =	sadd.s32 s8, s19  }
0xa0: {  	s11 =	simm.s32 $0x0;
	s20 =	sshll.u32 s9, $0x1;
	s9 =	sadd.s32 s21, s7  }
0xa1: {  	[timem:s11], [sflag:s22] =	dma.local [hbm:s9], s20  }
0xa2: {  	_ =	swait.ge [sflag:s22], s20  }
0xa3: {  	s8 =	ssub.s32 $0x0, s20;
	[sflag:s22] =	ssyncset.done $0x0  }
0xa4: {  	[sflag:s22] =	ssyncadd.s32 s8;
	_ =	sdelay $0x1  }
0xa5: {  	s23 =	simm.s32 $0x1B8B  }
0xa6: {  	_ =	swait.ge [sflag:s23], $0x1  }
0xa7: {  	[sflag:s23] =	ssyncset.done $0x0  }
0xa8: {  	s25 =	simm.s32 $0x1B8E;
	s24 =	sld [smem:$0x3FFE];
	[sflag:s23] =	ssyncadd.s32 $0xFFFFFFFF  }
0xa9: {  	s26 =	simm.s32 $execute0_lowered;
	[smem:$0x3FD2] =	sst s25  }
0xaa: {  	s9 =	sshll.u32 s26, $0x1;
	_ =	strace $0x80000046;
	[dreg:$0x1] =	wrdreg $0xFFFFFFFF  }
0xab: {  	s28 =	simm.s32 $_size_execute0_lowered;
	s7 =	sadd.s32 s7, s9;
	[dreg:$0x0] =	wrdreg $0x0  }
0xac: {  	s9 =	sshll.u32 s28, $0x1;
	[dreg:$0x2] =	wrdreg s7  }
0xad: {  	[dreg:$0x3] =	wrdreg s9  }
0xae: {  	[dreg:$0x4] =	wrdreg $0xC0  }
0xaf: {  	_ =	task [dreg:s11], $0x5FFFF  }
0xb0: {  	[dreg:$0x1] =	wrdreg $0xFFFFFFFF  }
0xb1: {  	[dreg:$0x0] =	wrdreg $0x60  }
0xb2: {  	[dreg:$0x2] =	wrdreg s2  }
0xb3: {  	[dreg:$0x3] =	wrdreg s4  }
0xb4: {  	[dreg:$0x4] =	wrdreg s18  }
0xb5: {  	[dreg:$0x5] =	wrdreg s5  }
0xb6: {  	[dreg:$0x6] =	wrdreg s6  }
0xb7: {  	[dreg:$0x7] =	wrdreg s24  }
0xb8: {  	[dreg:$0x8] =	wrdreg $0x0  }
0xb9: {  	[dreg:$0x9] =	wrdreg $0x138800  }
0xba: {  	[dreg:$0xa] =	wrdreg $0x9  }
0xbb: {  	_ =	task.clear_ibuf [dreg:s11], $0xBFFFF;
	_ =	strace $0x90000046  }
0xbc: {  	s29 =	simm.s32 $0x9;
	_ =	strace $0x80000048  }
0xbd: {  	_ =	swait.ge [sflag:s29], $0x1  }
0xbe: {  	[sflag:s29] =	ssyncadd.s32 $0xFFFFFFFF  }
0xbf: {  	_ =	strace $0x90000048  }
0xc0: {  	_ =	sfence  }
0xc1: {  	s30 =	sld [smem:$0x0];
	_ =	sdelay $0x2  }
0xc2: {  	s31 =	sshll.u32 s1, $0xD;
	s1 =	sshrl.u32 s1, $0x2  }
0xc3: {  	s3 =	sand.u32 $0x4000, s31;
	s1 =	sadd.s32 s1, s30  }
0xc4: {  	s0 =	sor.u32 s3, s0;
	s1 =	sshll.u32 s1, $0x11  }
0xc5: {  	s0 =	sor.u32 s1, s0  }
0xc6: {  	s0 =	sadd.s32 $0x8F2B, s0  }
0xc7: {  	[sflag:s0] =	ssyncadd.remote.s32 $0x1  }
0xc8: {  	_ =	sfence.sel $0xFFFF  }
0xc9: {  	[dreg:$0x0] =	wrdreg $0xFFFFFFFF;
	(pc) =	sbr.abs _section_cstart, $3  }
0xca: {  	[dreg:$0x1] =	wrdreg $0xFFFFFFFF  }
0xcb: {  	_ =	task.clear_ibuf [dreg:s11], $0x2FFFF;
	_ =	strace $0x9FFFFFFF  }
0xcc: {  	(tm) =	ssettm $0x7FFFFFFF  }
0xcd: {  	_ =	shalt  }
tec
execute0_lowered:
.L_overlay_start_1:
0x0: {  	(tag) =	ssettag $0x1  }
0x1: {  	s23 =	rddreg [dreg:$0x0]  }
0x2: {  	s18 =	rddreg [dreg:$0x1]  }
0x3: {  	s20 =	rddreg [dreg:$0x2]  }
0x4: {  	s21 =	rddreg [dreg:$0x3]  }
0x5: {  	s0 =	rddreg [dreg:$0x4]  }
0x6: {  	s1 =	rddreg [dreg:$0x5]  }
0x7: {  	s5 =	rddreg [dreg:$0x6]  }
0x8: {  	s6 =	rddreg [dreg:$0x7]  }
0x9: {  	s7 =	simm.s32 $0x0;
	s15 =	srdreg.scid;
	s22 =	stileid.u32  }
0xa: {  	[smem:$0x7FF] =	sst s7;
	s2 =	sadd.s32 $0x2400, s1;
	s3 =	sadd.s32 $0x29600, s1  }
0xb: {  	s8 =	smul.u32 $0x4E20, s22;
	_ =	strace $0x80000047;
	[dreg:$0x9] =	wrdreg s2  }
0xc: {  	s4 =	sadd.s32 $0x1800, s1;
	s12 =	smul.u32 $0x2700, s22;
	[dreg:$0xa] =	wrdreg s3  }
0xd: {  	s1 =	sadd.s32 $0x1E00, s1;
	s9 =	smul.u32 $0x4E000, s22;
	[dreg:$0xb] =	wrdreg s4  }
0xe: {  	s2 =	sand.u32 $0x1, s15;
	s3 =	smul.u32 $0x270, s22;
	[dreg:$0xc] =	wrdreg s1  }
0xf: {  	s16 =	ssub.s32 $0x2, s2;
	s19 =	sadd.s32 $0x80, s8;
	p0 =	seq.s32 s2, $0x0  }
0x10: {  	s10 =	sshrl.u32 s8, $0x3;
	[dreg:$0xd] =	wrdreg s12;
	s0 =	sadd.s32 s0, s12  }
0x11: {  	s24 =	sshrl.u32 s9, $0x2;
	s9 =	smov.u32 s21;
	s13 =	sadd.s32 $0x100, s8  }
0x12: {  	s14 =	sadd.s32 $0x180, s8;
	s17 =	sshrl.u32 s16, $0x1;
	s11 =	sshrl.u32 s19, $0x3  }
0x13: {  	[dreg:$0xe] =	wrdreg s0;
	s0 =	sadd.s32 s24, s5;
	s9 =	smov.u32 @p0 s18  }
0x14: {  	s12 =	sadd.s32 $0x180, s3;
	s1 =	ssub.s32 s16, s17;
	[dreg:$0xf] =	wrdreg s0  }
0x15: {  	s0 =	sadd.s32 $0x80, s3;
	s10 =	sadd.s32 s9, s10;
	s9 =	sadd.s32 s9, s11  }
0x16: {  	s16 =	sadd.s32 $0x200, s8;
	s8 =	sadd.s32 $0x4E00, s8;
	[dreg:$0x10] =	wrdreg s10  }
0x17: {  	s25 =	sshll.u32 s0, $0x7;
	[dreg:$0x11] =	wrdreg s9;
	s24 =	sshrl.u32 s8, $0x3  }
0x18: {  	s9 =	smov.u32 s20;
	s8 =	sshll.u32 s8, $0x4;
	[dreg:$0x16] =	wrdreg s24  }
0x19: {  	s0 =	sshll.u32 s0, $0x4;
	s1 =	smax.u32 s1, $0x1;
	[dreg:$0x17] =	wrdreg s8  }
0x1a: {  	s9 =	smov.u32 @p0 s23;
	p0 =	sne.s32 s2, $0x0;
	[dreg:$0x18] =	wrdreg s0  }
0x1b: {  	s2 =	sadd.s32 $0x100, s3;
	s26 =	sadd.s32 s25, s5;
	[smem:$0x7F8] =	sst s1  }
0x1c: {  	s25 =	sshll.u32 s12, $0x7;
	[dreg:$0x12] =	wrdreg s26;
	s24 =	sshll.u32 s2, $0x4  }
0x1d: {  	s29 =	sadd.s32 s25, s5;
	s25 =	sshll.u32 s12, $0x4;
	[dreg:$0x19] =	wrdreg s24  }
0x1e: {  	s11 =	sshll.u32 s2, $0x7;
	s2 =	sshrl.u32 s3, $0x3;
	[dreg:$0x1a] =	wrdreg s25  }
0x1f: {  	s4 =	sshll.u32 s19, $0x4;
	s15 =	sshrl.u32 s14, $0x3;
	[dreg:$0x1d] =	wrdreg s2  }
0x20: {  	s26 =	sadd.s32 $0x200, s3;
	s10 =	sadd.s32 s11, s5;
	[dreg:$0x14] =	wrdreg s29  }
0x21: {  	s19 =	sshll.u32 s26, $0x7;
	s26 =	sshll.u32 s26, $0x4;
	[dreg:$0x13] =	wrdreg s10  }
0x22: {  	s14 =	sshll.u32 s14, $0x4;
	s25 =	sadd.s32 s21, s15;
	[dreg:$0x1b] =	wrdreg s26  }
0x23: {  	s17 =	sshrl.u32 s16, $0x3;
	s2 =	sadd.s32 s20, s14;
	[smem:$0x7F0] =	sst s25  }
0x24: {  	s16 =	sshll.u32 s16, $0x4;
	s26 =	sadd.s32 s18, s15;
	[smem:$0x7F2] =	sst s2  }
0x25: {  	s15 =	sadd.s32 s23, s16;
	[smem:$0x7F1] =	sst s26  }
0x26: {  	s19 =	sadd.s32 s19, s5;
	s10 =	sshrl.u32 s13, $0x3;
	[smem:$0x7F7] =	sst s15  }
0x27: {  	s8 =	sadd.s32 s3, s6;
	s3 =	sadd.s32 s21, s10;
	[dreg:$0x15] =	wrdreg s19  }
0x28: {  	s13 =	sshll.u32 s13, $0x4;
	s11 =	sadd.s32 s18, s10;
	[dreg:$0x1e] =	wrdreg s3  }
0x29: {  	s12 =	sadd.s32 s20, s13;
	[dreg:$0x1f] =	wrdreg s11  }
0x2a: {  	s31 =	simm.s32 $0x17C78;
	s24 =	sadd.s32 s23, s13;
	[smem:$0x7EE] =	sst s12  }
0x2b: {  	s28 =	simm.s32 $0xA;
	[smem:$0x7EF] =	sst s24;
	s3 =	sadd.s32 s23, s14  }
0x2c: {  	s30 =	simm.s32 $0x3;
	s11 =	sadd.s32 s21, s17;
	[smem:$0x7F3] =	sst s3  }
0x2d: {  	s0 =	simm.s32 $0xB;
	s12 =	sadd.s32 s18, s17;
	[smem:$0x7F4] =	sst s11  }
0x2e: {  	s10 =	smul.u32 $0x4E200, s22;
	s14 =	sadd.s32 s20, s16;
	[smem:$0x7F5] =	sst s12  }
0x2f: {  	s13 =	smul.u32 $0x9C4, s22;
	s16 =	sadd.s32 s9, s4;
	[smem:$0x7F6] =	sst s14  }
0x30: {  	s2 =	simm.s32 $0x6;
	s15 =	simm.s32 $0xC;
	[smem:$0x7F9] =	sst s16  }
0x31: {  	s17 =	sadd.s32 s9, s10;
	s22 =	sadd.s32 s13, s21;
	s24 =	sadd.s32 s13, s18  }
0x32: {  	s25 =	sadd.s32 s10, s20;
	s20 =	smov.u32 s8;
	s4 =	sadd.s32 s10, s23  }
0x33: {  	s10 =	simm.s32 $0x13AF8;
	s11 =	simm.s32 $0x13C78;
	s12 =	simm.s32 $0x13B78  }
0x34: {  	s9 =	simm.s32 $0xD;
	s21 =	simm.s32 $0x1FCF8;
	s16 =	simm.s32 $0x1  }
0x35: {  	s13 =	simm.s32 $0x4;
	s23 =	simm.s32 $0x13BF8;
	s8 =	simm.s32 $0x8  }
0x36: {  	s14 =	simm.s32 $0x9;
	s3 =	simm.s32 $0x0;
	s18 =	smov.u32 s29  }
.Ltmp0:
0x37: {  	s29 =	smov.u32 s19;
	[smem:$0x7FA] =	sst s17;
	(pc) =	sbr.rel .LBB2_1-.Ltmp0, $4  }
0x38: {  	s1 =	sadd.s32 $0x70, s22;
	[smem:$0x7FC] =	sst s25;
	s26 =	sadd.s32 $0x70, s24  }
0x39: {  	s17 =	simm.s32 $0x80;
	s22 =	simm.s32 $0x1FF78;
	[dreg:$0x1c] =	wrdreg s20  }
0x3a: {  	s24 =	simm.s32 $0x2;
	s25 =	simm.s32 $0x5;
	[smem:$0x7FB] =	sst s1  }
0x3b: {  	v0 =	vimm.f32 $0.0e+00;
	v1 =	vimm.f32 $1.000000000e+00;
	[smem:$0x7FD] =	sst s26;
	s1 =	simm.s32 $0x1BC78;
	s26 =	simm.s32 $0x7  }
.LBB2_8:
0x3c: {  	s29 =	rddreg [dreg:$0x3]  }
0x3d: {  	s21 =	rddreg [dreg:$0x2]  }
0x3e: {  	s20 =	rddreg [dreg:$0xa]  }
0x3f: {  	s3 =	rddreg [dreg:$0xc]  }
0x40: {  	[smem:$0x7EC] =	sst s3  }
0x41: {  	s3 =	sld [smem:$0x7ED]  }
.LBB2_9:
0x42: {  	_ =	swait.ge [sflag:s30], $0x80  }
0x43: {  	[sflag:s30] =	ssyncset.done $0x0  }
0x44: {  	[sflag:s30] =	ssyncadd.s32 $0xFFFFFF80  }
0x45: {  	_ =	swait.ge [sflag:s2], $0x4000  }
0x46: {  	[sflag:s2] =	ssyncset.done $0x0  }
0x47: {  	[sflag:s2] =	ssyncadd.s32 $0xFFFFC000  }
0x48: {  	[spmem:s5] =	stream.indirect.scatter.add.f32 [tilespmem:s1], [sflag:$0x9], $0x80, s23, s17, $0xb8;
	v63 =	vld [tilespmem:$0x0]  }
0x49: {  	_ = 	snop  }
0x4a: {  	[spmem:s6] =	stream.indirect.scatter.add.f32 [tilespmem:s22], [sflag:$0xC], $0x1, s23, s17, $0xb8;
	v63 =	vld [tilespmem:$0x0]  }
0x4b: {  	_ =	swait.ge [sflag:s26], $0x4000  }
0x4c: {  	[sflag:s26] =	ssyncset.done $0x0  }
0x4d: {  	[sflag:s26] =	ssyncadd.s32 $0xFFFFC000  }
0x4e: {  	_ =	swait.ge [sflag:s28], $0x80  }
0x4f: {  	[sflag:s28] =	ssyncset.done $0x0  }
0x50: {  	[sflag:s28] =	ssyncadd.s32 $0xFFFFFF80  }
0x51: {  	_ =	swait.ge [sflag:s8], $0x4000  }
0x52: {  	[sflag:s8] =	ssyncset.done $0x0  }
0x53: {  	[sflag:s8] =	ssyncadd.s32 $0xFFFFC000  }
0x54: {  	_ =	swait.ge [sflag:s0], $0x80  }
0x55: {  	[sflag:s0] =	ssyncset.done $0x0  }
0x56: {  	[sflag:s0] =	ssyncadd.s32 $0xFFFFFF80  }
0x57: {  	_ =	swait.ge [sflag:s14], $0x4000  }
0x58: {  	[sflag:s14] =	ssyncset.done $0x0  }
0x59: {  	[sflag:s14] =	ssyncadd.s32 $0xFFFFC000  }
0x5a: {  	_ =	swait.ge [sflag:s15], $0x80  }
0x5b: {  	[sflag:s15] =	ssyncset.done $0x0;
	s18 =	rddreg [dreg:$0x16]  }
0x5c: {  	s19 =	simm.s32 $0x1FC78;
	s29 =	sadd.s32 s29, s18;
	[sflag:s15] =	ssyncadd.s32 $0xFFFFFF80  }
0x5d: {  	[tilespmem:s19], [sflag:$0xD] =	stream.linear.gather [hbm4b:s29+s7], $0x20, $0x38;
	v63 =	vld [tilespmem:$0x0]  }
0x5e: {  	_ =	swait.ge [sflag:s9], $0x20  }
0x5f: {  	[sflag:s9] =	ssyncset.done $0x0;
	s18 =	rddreg [dreg:$0x17]  }
0x60: {  	s21 =	sadd.s32 s21, s18;
	[sflag:s9] =	ssyncadd.s32 $0xFFFFFFE0  }
0x61: {  	[tilespmem:s11], [sflag:$0xD] =	stream.linear.gather [hbm4b:s21+s7], $0x1000, $0x38;
	v63 =	vld [tilespmem:$0x0]  }
0x62: {  	_ =	swait.ge [sflag:s9], $0x1000  }
0x63: {  	[sflag:s9] =	ssyncset.done $0x0  }
0x64: {  	s21 =	simm.s32 $0x20;
	[sflag:s9] =	ssyncadd.s32 $0xFFFFF000  }
0x65: {  	[spmem:s5] =	stream.indirect.scatter.add.f32 [tilespmem:s11], [sflag:$0xD], $0x80, s19, s21, $0xb8;
	v63 =	vld [tilespmem:$0x0]  }
0x66: {  	_ =	swait.ge [sflag:s9], $0x1000  }
0x67: {  	[sflag:s9] =	ssyncset.done $0x0  }
0x68: {  	[sflag:s9] =	ssyncadd.s32 $0xFFFFF000  }
0x69: {  	[spmem:s6] =	stream.indirect.scatter.add.f32 [tilespmem:s22], [sflag:$0xD], $0x1, s19, s21, $0xb8;
	v63 =	vld [tilespmem:$0x0]  }
0x6a: {  	_ =	swait.ge [sflag:s9], $0x20  }
0x6b: {  	[sflag:s9] =	ssyncset.done $0x0  }
0x6c: {  	[sflag:s9] =	ssyncadd.s32 $0xFFFFFFE0  }
0x6d: {  	[bflag:$0x0] =	sbarrier.arrive $0xFFFF  }
0x6e: {  	s19 =	rddreg [dreg:$0xf]  }
0x6f: {  	[tilespmem:s11], [sflag:$0x4] =	stream.linear.gather [spmem:s19], $0x4000, $0x38;
	v63 =	vld [tilespmem:$0x0]  }
0x70: {  	_ =	swait.ge [sflag:s13], $0x4000  }
0x71: {  	[sflag:s13] =	ssyncset.done $0x0;
	s21 =	rddreg [dreg:$0x12]  }
0x72: {  	s19 =	rddreg [dreg:$0xd];
	[sflag:s13] =	ssyncadd.s32 $0xFFFFC000  }
0x73: {  	[tilespmem:s31], [sflag:$0x5] =	stream.linear.gather [spmem:s21], $0x4000, $0x38;
	v63 =	vld [tilespmem:$0x0]  }
0x74: {  	s21 =	sadd.s32 s20, s19  }
0x75: {  	[hbm4b:s21+s7] =	stream.linear.scatter [tilespmem:s11], [sflag:$0x7], $0x4000, $0x38;
	v63 =	vld [tilespmem:$0x0]  }
0x76: {  	_ =	swait.ge [sflag:s25], $0x4000  }
0x77: {  	[sflag:s25] =	ssyncset.done $0x0  }
0x78: {  	[sflag:s25] =	ssyncadd.s32 $0xFFFFC000  }
0x79: {  	_ =	swait.ge [sflag:s26], $0x4000  }
0x7a: {  	[sflag:s26] =	ssyncset.done $0x0;
	s18 =	rddreg [dreg:$0x13]  }
0x7b: {  	s19 =	rddreg [dreg:$0x18];
	[sflag:s26] =	ssyncadd.s32 $0xFFFFC000  }
0x7c: {  	[tilespmem:s11], [sflag:$0x4] =	stream.linear.gather [spmem:s18], $0x4000, $0x38;
	v63 =	vld [tilespmem:$0x0]  }
0x7d: {  	s21 =	sadd.s32 s20, s19  }
0x7e: {  	[hbm4b:s21+s7] =	stream.linear.scatter [tilespmem:s31], [sflag:$0x8], $0x4000, $0x38;
	v63 =	vld [tilespmem:$0x0]  }
0x7f: {  	_ =	swait.ge [sflag:s13], $0x4000  }
0x80: {  	[sflag:s13] =	ssyncset.done $0x0  }
0x81: {  	[sflag:s13] =	ssyncadd.s32 $0xFFFFC000  }
0x82: {  	_ =	swait.ge [sflag:s8], $0x4000  }
0x83: {  	[sflag:s8] =	ssyncset.done $0x0;
	s21 =	rddreg [dreg:$0x14]  }
0x84: {  	s19 =	rddreg [dreg:$0x19];
	[sflag:s8] =	ssyncadd.s32 $0xFFFFC000  }
0x85: {  	[tilespmem:s31], [sflag:$0x5] =	stream.linear.gather [spmem:s21], $0x4000, $0x38;
	v63 =	vld [tilespmem:$0x0]  }
0x86: {  	s18 =	smov.u32 s21;
	s21 =	sadd.s32 s20, s19  }
0x87: {  	[hbm4b:s21+s7] =	stream.linear.scatter [tilespmem:s11], [sflag:$0x7], $0x4000, $0x38;
	v63 =	vld [tilespmem:$0x0]  }
0x88: {  	_ =	swait.ge [sflag:s25], $0x4000  }
0x89: {  	[sflag:s25] =	ssyncset.done $0x0  }
0x8a: {  	[sflag:s25] =	ssyncadd.s32 $0xFFFFC000  }
0x8b: {  	_ =	swait.ge [sflag:s26], $0x4000  }
0x8c: {  	[sflag:s26] =	ssyncset.done $0x0;
	s21 =	rddreg [dreg:$0x15]  }
0x8d: {  	s19 =	rddreg [dreg:$0x1a];
	[sflag:s26] =	ssyncadd.s32 $0xFFFFC000  }
0x8e: {  	[tilespmem:s11], [sflag:$0x4] =	stream.linear.gather [spmem:s21], $0x4000, $0x38;
	v63 =	vld [tilespmem:$0x0]  }
0x8f: {  	s29 =	smov.u32 s21;
	s21 =	sadd.s32 s20, s19  }
0x90: {  	[hbm4b:s21+s7] =	stream.linear.scatter [tilespmem:s31], [sflag:$0x8], $0x4000, $0x38;
	v63 =	vld [tilespmem:$0x0]  }
0x91: {  	_ =	swait.ge [sflag:s13], $0x4000  }
0x92: {  	[sflag:s13] =	ssyncset.done $0x0;
	s19 =	rddreg [dreg:$0x1b]  }
0x93: {  	s21 =	sadd.s32 s20, s19;
	[sflag:s13] =	ssyncadd.s32 $0xFFFFC000  }
0x94: {  	[hbm4b:s21+s7] =	stream.linear.scatter [tilespmem:s11], [sflag:$0x7], $0x4000, $0x38;
	v63 =	vld [tilespmem:$0x0]  }
0x95: {  	s20 =	rddreg [dreg:$0x1c];
	s19 =	simm.s32 $0x1FCF8  }
0x96: {  	[tilespmem:s19], [sflag:$0xD] =	stream.linear.gather [spmem:s20], $0x280, $0x38;
	v63 =	vld [tilespmem:$0x0]  }
0x97: {  	_ =	swait.ge [sflag:s9], $0x280  }
0x98: {  	s19 =	sld [smem:$0x7EC];
	_ =	sdelay $0x1  }
0x99: {  	[sflag:s9] =	ssyncset.done $0x0;
	s21 =	rddreg [dreg:$0x1d]  }
0x9a: {  	[sflag:s9] =	ssyncadd.s32 $0xFFFFFD80;
	s19 =	sadd.s32 s19, s21;
	s21 =	simm.s32 $0x1FCF8  }
0x9b: {  	[hbm4b:s19+s7] =	stream.linear.scatter [tilespmem:s21], [sflag:$0xD], $0x280, $0x38;
	v63 =	vld [tilespmem:$0x0]  }
0x9c: {  	_ =	swait.ge [sflag:s9], $0x280  }
0x9d: {  	[sflag:s9] =	ssyncset.done $0x0  }
0x9e: {  	[sflag:s9] =	ssyncadd.s32 $0xFFFFFD80  }
0x9f: {  	_ =	swait.ge [sflag:s8], $0x4000  }
0xa0: {  	[sflag:s8] =	ssyncset.done $0x0  }
0xa1: {  	[sflag:s8] =	ssyncadd.s32 $0xFFFFC000  }
0xa2: {  	_ =	swait.ge [sflag:s26], $0x4000  }
0xa3: {  	s19 =	sld [smem:$0x7F8];
	_ =	sdelay $0x1  }
0xa4: {  	s3 =	sadd.s32 $0x1, s3  }
0xa5: {  	p1 =	sne.s32 s3, s19  }
.Ltmp1:
0xa6: {  	_ = 	snop;
	(pc) =	sbr.rel @!p1 .LBB2_10-.Ltmp1, $3  }
0xa7: {  	_ =	sdelay $0x1  }
0xa8: {  	[sflag:s26] =	ssyncset.done $0x0  }
0xa9: {  	[sflag:s26] =	ssyncadd.s32 $0xFFFFC000  }
.LBB2_1:
0xaa: {  	[tilespmem:$0x1FCF8] =	vst v0  }
0xab: {  	[tilespmem:$0x1FD08] =	vst v0  }
0xac: {  	[tilespmem:$0x1FD18] =	vst v0  }
0xad: {  	[tilespmem:$0x1FD28] =	vst v0  }
0xae: {  	[tilespmem:$0x1FD38] =	vst v0  }
0xaf: {  	[tilespmem:$0x1FD48] =	vst v0  }
0xb0: {  	[tilespmem:$0x1FD58] =	vst v0  }
0xb1: {  	[tilespmem:$0x1FD68] =	vst v0  }
0xb2: {  	[tilespmem:$0x1FD78] =	vst v0  }
0xb3: {  	[tilespmem:$0x1FD88] =	vst v0  }
0xb4: {  	[tilespmem:$0x1FD98] =	vst v0  }
0xb5: {  	[tilespmem:$0x1FDA8] =	vst v0  }
0xb6: {  	[tilespmem:$0x1FDB8] =	vst v0  }
0xb7: {  	[tilespmem:$0x1FDC8] =	vst v0  }
0xb8: {  	[tilespmem:$0x1FDD8] =	vst v0  }
0xb9: {  	[tilespmem:$0x1FDE8] =	vst v0  }
0xba: {  	[tilespmem:$0x1FDF8] =	vst v0  }
0xbb: {  	[tilespmem:$0x1FE08] =	vst v0  }
0xbc: {  	[tilespmem:$0x1FE18] =	vst v0  }
0xbd: {  	[tilespmem:$0x1FE28] =	vst v0  }
0xbe: {  	[tilespmem:$0x1FE38] =	vst v0  }
0xbf: {  	[tilespmem:$0x1FE48] =	vst v0  }
0xc0: {  	[tilespmem:$0x1FE58] =	vst v0  }
0xc1: {  	[tilespmem:$0x1FE68] =	vst v0  }
0xc2: {  	[tilespmem:$0x1FE78] =	vst v0  }
0xc3: {  	[tilespmem:$0x1FE88] =	vst v0  }
0xc4: {  	[tilespmem:$0x1FE98] =	vst v0  }
0xc5: {  	[tilespmem:$0x1FEA8] =	vst v0  }
0xc6: {  	[tilespmem:$0x1FEB8] =	vst v0  }
0xc7: {  	[tilespmem:$0x1FEC8] =	vst v0  }
0xc8: {  	[tilespmem:$0x1FED8] =	vst v0  }
0xc9: {  	[tilespmem:$0x1FEE8] =	vst v0  }
0xca: {  	[tilespmem:$0x1FEF8] =	vst v0  }
0xcb: {  	[tilespmem:$0x1FF08] =	vst v0  }
0xcc: {  	[tilespmem:$0x1FF18] =	vst v0  }
0xcd: {  	[tilespmem:$0x1FF28] =	vst v0  }
0xce: {  	[tilespmem:$0x1FF38] =	vst v0  }
0xcf: {  	[tilespmem:$0x1FF48] =	vst v0  }
0xd0: {  	[tilespmem:$0x1FF58] =	vst v0  }
0xd1: {  	[tilespmem:$0x1FF68] =	vst v0  }
0xd2: {  	[tilespmem:$0x1FF78] =	vst v1  }
0xd3: {  	[tilespmem:$0x1FF88] =	vst v1  }
0xd4: {  	[tilespmem:$0x1FF98] =	vst v1  }
0xd5: {  	[tilespmem:$0x1FFA8] =	vst v1  }
0xd6: {  	[tilespmem:$0x1FFB8] =	vst v1  }
0xd7: {  	[smem:$0x7ED] =	sst s3;
	[tilespmem:$0x1FFC8] =	vst v1  }
0xd8: {  	[tilespmem:$0x1FFD8] =	vst v1;
	s19 =	rddreg [dreg:$0x10]  }
0xd9: {  	[tilespmem:$0x1FFE8] =	vst v1;
	s3 =	sld [smem:$0x7FA]  }
0xda: {  	[tilespmem:s10], [sflag:$0x1] =	stream.linear.gather [hbm4b:s19+s7], $0x80, $0x38;
	v63 =	vld [tilespmem:$0x0]  }
0xdb: {  	_ = 	snop  }
0xdc: {  	[tilespmem:s11], [sflag:$0x4] =	stream.linear.gather [hbm4b:s3+s7], $0x4000, $0x38;
	v63 =	vld [tilespmem:$0x0]  }
0xdd: {  	s3 =	rddreg [dreg:$0x11]  }
0xde: {  	[tilespmem:s12], [sflag:$0x2] =	stream.linear.gather [hbm4b:s3+s7], $0x80, $0x38;
	v63 =	vld [tilespmem:$0x0]  }
0xdf: {  	s3 =	sld [smem:$0x7F9];
	_ =	sdelay $0x2  }
0xe0: {  	[tilespmem:s31], [sflag:$0x5] =	stream.linear.gather [hbm4b:s3+s7], $0x4000, $0x38;
	v63 =	vld [tilespmem:$0x0]  }
0xe1: {  	s3 =	rddreg [dreg:$0xe]  }
0xe2: {  	[tilespmem:s1], [sflag:$0xD] =	stream.linear.gather [hbm4b:s3+s7], $0x4000, $0x38;
	v63 =	vld [tilespmem:$0x0]  }
0xe3: {  	_ =	swait.ge [sflag:s9], $0x4000  }
0xe4: {  	[sflag:s9] =	ssyncset.done $0x0  }
0xe5: {  	s19 =	rddreg [dreg:$0xf];
	[sflag:s9] =	ssyncadd.s32 $0xFFFFC000  }
0xe6: {  	[spmem:s19] =	stream.linear.scatter [tilespmem:s1], [sflag:$0xD], $0x4000, $0x38;
	v63 =	vld [tilespmem:$0x0]  }
0xe7: {  	_ =	swait.ge [sflag:s9], $0x4000  }
0xe8: {  	[sflag:s9] =	ssyncset.done $0x0  }
0xe9: {  	s19 =	rddreg [dreg:$0x12];
	[sflag:s9] =	ssyncadd.s32 $0xFFFFC000  }
0xea: {  	[spmem:s19] =	stream.linear.scatter [tilespmem:s1], [sflag:$0xD], $0x4000, $0x38;
	v63 =	vld [tilespmem:$0x0]  }
0xeb: {  	_ =	swait.ge [sflag:s9], $0x4000  }
0xec: {  	[sflag:s9] =	ssyncset.done $0x0  }
0xed: {  	s19 =	rddreg [dreg:$0x13];
	[sflag:s9] =	ssyncadd.s32 $0xFFFFC000  }
0xee: {  	[spmem:s19] =	stream.linear.scatter [tilespmem:s1], [sflag:$0xD], $0x4000, $0x38;
	v63 =	vld [tilespmem:$0x0]  }
0xef: {  	_ =	swait.ge [sflag:s9], $0x4000  }
0xf0: {  	[sflag:s9] =	ssyncset.done $0x0  }
0xf1: {  	[sflag:s9] =	ssyncadd.s32 $0xFFFFC000  }
0xf2: {  	[spmem:s18] =	stream.linear.scatter [tilespmem:s1], [sflag:$0xD], $0x4000, $0x38;
	v63 =	vld [tilespmem:$0x0]  }
0xf3: {  	_ =	swait.ge [sflag:s9], $0x4000  }
0xf4: {  	[sflag:s9] =	ssyncset.done $0x0  }
0xf5: {  	[sflag:s9] =	ssyncadd.s32 $0xFFFFC000  }
0xf6: {  	[spmem:s29] =	stream.linear.scatter [tilespmem:s1], [sflag:$0xD], $0x4000, $0x38;
	v63 =	vld [tilespmem:$0x0]  }
0xf7: {  	_ =	swait.ge [sflag:s9], $0x4000  }
0xf8: {  	[sflag:s9] =	ssyncset.done $0x0  }
0xf9: {  	[sflag:s9] =	ssyncadd.s32 $0xFFFFC000  }
0xfa: {  	[spmem:s20] =	stream.linear.scatter [tilespmem:s21], [sflag:$0xD], $0x280, $0x38;
	v63 =	vld [tilespmem:$0x0]  }
0xfb: {  	_ =	swait.ge [sflag:s9], $0x280  }
0xfc: {  	[sflag:s9] =	ssyncset.done $0x0  }
0xfd: {  	[sflag:s9] =	ssyncadd.s32 $0xFFFFFD80  }
0xfe: {  	[bflag:$0x0] =	sbarrier.arrive $0xFFFF  }
0xff: {  	_ =	swait.ge [sflag:s16], $0x80  }
0x100: {  	[sflag:s16] =	ssyncset.done $0x0  }
0x101: {  	[sflag:s16] =	ssyncadd.s32 $0xFFFFFF80  }
0x102: {  	_ =	swait.ge [sflag:s13], $0x4000  }
.Ltmp2:
0x103: {  	[sflag:s13] =	ssyncset.done $0x0;
	(pc) =	sbr.rel @p0 .LBB2_6-.Ltmp2, $4  }
0x104: {  	[sflag:s13] =	ssyncadd.s32 $0xFFFFC000  }
0x105: {  	[spmem:s5] =	stream.indirect.scatter.add.f32 [tilespmem:s11], [sflag:$0x7], $0x80, s10, s17, $0xb8;
	v63 =	vld [tilespmem:$0x0]  }
0x106: {  	s19 =	simm.s32 $0x0  }
0x107: {  	[spmem:s6] =	stream.indirect.scatter.add.f32 [tilespmem:s22], [sflag:$0xA], $0x1, s10, s17, $0xb8;
	v63 =	vld [tilespmem:$0x0]  }
0x108: {  	s18 =	rddreg [dreg:$0x1f]  }
0x109: {  	s29 =	sld [smem:$0x7EF]  }
0x10a: {  	[tilespmem:s23], [sflag:$0x3] =	stream.linear.gather [hbm4b:s18+s19], $0x80, $0x38;
	v63 =	vld [tilespmem:$0x0]  }
0x10b: {  	_ = 	snop  }
0x10c: {  	[tilespmem:s1], [sflag:$0x6] =	stream.linear.gather [hbm4b:s29+s19], $0x4000, $0x38;
	v63 =	vld [tilespmem:$0x0]  }
0x10d: {  	_ =	swait.ge [sflag:s24], $0x80  }
0x10e: {  	[sflag:s24] =	ssyncset.done $0x0  }
0x10f: {  	[sflag:s24] =	ssyncadd.s32 $0xFFFFFF80  }
0x110: {  	_ =	swait.ge [sflag:s25], $0x4000  }
0x111: {  	[sflag:s25] =	ssyncset.done $0x0  }
0x112: {  	[sflag:s25] =	ssyncadd.s32 $0xFFFFC000  }
0x113: {  	[spmem:s5] =	stream.indirect.scatter.add.f32 [tilespmem:s31], [sflag:$0x8], $0x80, s12, s17, $0xb8;
	v63 =	vld [tilespmem:$0x0]  }
0x114: {  	_ = 	snop  }
0x115: {  	[spmem:s6] =	stream.indirect.scatter.add.f32 [tilespmem:s22], [sflag:$0xB], $0x1, s12, s17, $0xb8;
	v63 =	vld [tilespmem:$0x0]  }
0x116: {  	_ =	swait.ge [sflag:s26], $0x4000  }
0x117: {  	[sflag:s26] =	ssyncset.done $0x0  }
0x118: {  	[sflag:s26] =	ssyncadd.s32 $0xFFFFC000  }
0x119: {  	_ =	swait.ge [sflag:s28], $0x80  }
0x11a: {  	s3 =	sld [smem:$0x7F1]  }
0x11b: {  	[sflag:s28] =	ssyncset.done $0x0  }
0x11c: {  	s20 =	sld [smem:$0x7F3];
	[sflag:s28] =	ssyncadd.s32 $0xFFFFFF80  }
0x11d: {  	[tilespmem:s10], [sflag:$0x1] =	stream.linear.gather [hbm4b:s3+s19], $0x80, $0x38;
	v63 =	vld [tilespmem:$0x0]  }
0x11e: {  	_ = 	snop  }
0x11f: {  	[tilespmem:s11], [sflag:$0x4] =	stream.linear.gather [hbm4b:s20+s19], $0x4000, $0x38;
	v63 =	vld [tilespmem:$0x0]  }
0x120: {  	_ =	swait.ge [sflag:s30], $0x80  }
0x121: {  	[sflag:s30] =	ssyncset.done $0x0  }
0x122: {  	[sflag:s30] =	ssyncadd.s32 $0xFFFFFF80  }
0x123: {  	_ =	swait.ge [sflag:s2], $0x4000  }
0x124: {  	[sflag:s2] =	ssyncset.done $0x0  }
0x125: {  	[sflag:s2] =	ssyncadd.s32 $0xFFFFC000  }
0x126: {  	[spmem:s5] =	stream.indirect.scatter.add.f32 [tilespmem:s1], [sflag:$0x9], $0x80, s23, s17, $0xb8;
	v63 =	vld [tilespmem:$0x0]  }
0x127: {  	_ = 	snop  }
0x128: {  	[spmem:s6] =	stream.indirect.scatter.add.f32 [tilespmem:s22], [sflag:$0xC], $0x1, s23, s17, $0xb8;
	v63 =	vld [tilespmem:$0x0]  }
0x129: {  	_ =	swait.ge [sflag:s8], $0x4000  }
0x12a: {  	[sflag:s8] =	ssyncset.done $0x0  }
0x12b: {  	[sflag:s8] =	ssyncadd.s32 $0xFFFFC000  }
0x12c: {  	_ =	swait.ge [sflag:s0], $0x80  }
0x12d: {  	s21 =	sld [smem:$0x7F5]  }
0x12e: {  	[sflag:s0] =	ssyncset.done $0x0  }
0x12f: {  	s29 =	sld [smem:$0x7F7];
	[sflag:s0] =	ssyncadd.s32 $0xFFFFFF80  }
0x130: {  	[tilespmem:s12], [sflag:$0x2] =	stream.linear.gather [hbm4b:s21+s19], $0x80, $0x38;
	v63 =	vld [tilespmem:$0x0]  }
0x131: {  	s20 =	sld [smem:$0x7FD]  }
0x132: {  	[tilespmem:s31], [sflag:$0x5] =	stream.linear.gather [hbm4b:s29+s19], $0x4000, $0x38;
	v63 =	vld [tilespmem:$0x0]  }
.LBB2_3:
0x133: {  	_ =	swait.ge [sflag:s16], $0x80  }
0x134: {  	[sflag:s16] =	ssyncset.done $0x0  }
0x135: {  	[sflag:s16] =	ssyncadd.s32 $0xFFFFFF80  }
0x136: {  	_ =	swait.ge [sflag:s13], $0x4000  }
0x137: {  	[sflag:s13] =	ssyncset.done $0x0  }
0x138: {  	[sflag:s13] =	ssyncadd.s32 $0xFFFFC000  }
0x139: {  	[spmem:s5] =	stream.indirect.scatter.add.f32 [tilespmem:s11], [sflag:$0x7], $0x80, s10, s17, $0xb8;
	v63 =	vld [tilespmem:$0x0]  }
0x13a: {  	_ = 	snop  }
0x13b: {  	[spmem:s6] =	stream.indirect.scatter.add.f32 [tilespmem:s22], [sflag:$0xA], $0x1, s10, s17, $0xb8;
	v63 =	vld [tilespmem:$0x0]  }
0x13c: {  	_ =	swait.ge [sflag:s14], $0x4000  }
0x13d: {  	[sflag:s14] =	ssyncset.done $0x0  }
0x13e: {  	[sflag:s14] =	ssyncadd.s32 $0xFFFFC000  }
0x13f: {  	_ =	swait.ge [sflag:s15], $0x80  }
0x140: {  	[sflag:s15] =	ssyncset.done $0x0  }
0x141: {  	s21 =	sadd.s32 $0xFFFFFFE0, s20;
	[sflag:s15] =	ssyncadd.s32 $0xFFFFFF80  }
0x142: {  	[tilespmem:s23], [sflag:$0x3] =	stream.linear.gather [hbm4b:s21+s7], $0x80, $0x38;
	v63 =	vld [tilespmem:$0x0]  }
0x143: {  	s21 =	sadd.s32 s19, s4  }
0x144: {  	s29 =	sadd.s32 $0x2800, s21  }
0x145: {  	[tilespmem:s1], [sflag:$0x6] =	stream.linear.gather [hbm4b:s29+s7], $0x4000, $0x38;
	v63 =	vld [tilespmem:$0x0]  }
0x146: {  	_ =	swait.ge [sflag:s24], $0x80  }
0x147: {  	[sflag:s24] =	ssyncset.done $0x0  }
0x148: {  	[sflag:s24] =	ssyncadd.s32 $0xFFFFFF80  }
0x149: {  	p1 =	seq.s32 s19, $0x4B000;
	_ =	swait.ge [sflag:s25], $0x4000  }
.Ltmp3:
0x14a: {  	[sflag:s25] =	ssyncset.done $0x0;
	(pc) =	sbr.rel @p1 .LBB2_4-.Ltmp3, $4  }
0x14b: {  	[sflag:s25] =	ssyncadd.s32 $0xFFFFC000  }
0x14c: {  	[spmem:s5] =	stream.indirect.scatter.add.f32 [tilespmem:s31], [sflag:$0x8], $0x80, s12, s17, $0xb8;
	v63 =	vld [tilespmem:$0x0]  }
0x14d: {  	_ = 	snop  }
0x14e: {  	[spmem:s6] =	stream.indirect.scatter.add.f32 [tilespmem:s22], [sflag:$0xB], $0x1, s12, s17, $0xb8;
	v63 =	vld [tilespmem:$0x0]  }
0x14f: {  	_ =	swait.ge [sflag:s26], $0x4000  }
0x150: {  	[sflag:s26] =	ssyncset.done $0x0  }
0x151: {  	[sflag:s26] =	ssyncadd.s32 $0xFFFFC000  }
0x152: {  	_ =	swait.ge [sflag:s28], $0x80  }
0x153: {  	[sflag:s28] =	ssyncset.done $0x0  }
0x154: {  	s29 =	sadd.s32 $0xFFFFFFF0, s20;
	[sflag:s28] =	ssyncadd.s32 $0xFFFFFF80  }
0x155: {  	[tilespmem:s10], [sflag:$0x1] =	stream.linear.gather [hbm4b:s29+s7], $0x80, $0x38;
	v63 =	vld [tilespmem:$0x0]  }
0x156: {  	s18 =	sadd.s32 $0x3000, s21  }
0x157: {  	[tilespmem:s11], [sflag:$0x4] =	stream.linear.gather [hbm4b:s18+s7], $0x4000, $0x38;
	v63 =	vld [tilespmem:$0x0]  }
0x158: {  	_ =	swait.ge [sflag:s30], $0x80  }
0x159: {  	[sflag:s30] =	ssyncset.done $0x0  }
0x15a: {  	[sflag:s30] =	ssyncadd.s32 $0xFFFFFF80  }
0x15b: {  	_ =	swait.ge [sflag:s2], $0x4000  }
0x15c: {  	[sflag:s2] =	ssyncset.done $0x0  }
0x15d: {  	[sflag:s2] =	ssyncadd.s32 $0xFFFFC000  }
0x15e: {  	[spmem:s5] =	stream.indirect.scatter.add.f32 [tilespmem:s1], [sflag:$0x9], $0x80, s23, s17, $0xb8;
	v63 =	vld [tilespmem:$0x0]  }
0x15f: {  	_ = 	snop  }
0x160: {  	[spmem:s6] =	stream.indirect.scatter.add.f32 [tilespmem:s22], [sflag:$0xC], $0x1, s23, s17, $0xb8;
	v63 =	vld [tilespmem:$0x0]  }
0x161: {  	_ =	swait.ge [sflag:s8], $0x4000  }
0x162: {  	[sflag:s8] =	ssyncset.done $0x0  }
0x163: {  	[sflag:s8] =	ssyncadd.s32 $0xFFFFC000  }
0x164: {  	_ =	swait.ge [sflag:s0], $0x80  }
.Ltmp4:
0x165: {  	[sflag:s0] =	ssyncset.done $0x0;
	(pc) =	sbr.rel .LBB2_3-.Ltmp4, $4  }
0x166: {  	[sflag:s0] =	ssyncadd.s32 $0xFFFFFF80  }
0x167: {  	[tilespmem:s12], [sflag:$0x2] =	stream.linear.gather [hbm4b:s20+s7], $0x80, $0x38;
	v63 =	vld [tilespmem:$0x0]  }
0x168: {  	s19 =	sadd.s32 $0x1800, s19;
	s29 =	sadd.s32 $0x3800, s21;
	s20 =	sadd.s32 $0x30, s20  }
0x169: {  	[tilespmem:s31], [sflag:$0x5] =	stream.linear.gather [hbm4b:s29+s7], $0x4000, $0x38;
	v63 =	vld [tilespmem:$0x0]  }
.LBB2_6:
0x16a: {  	s18 =	rddreg [dreg:$0x1e]  }
0x16b: {  	s29 =	sld [smem:$0x7EE]  }
0x16c: {  	[tilespmem:s23], [sflag:$0x3] =	stream.linear.gather [hbm4b:s18+s19], $0x80, $0x38;
	v63 =	vld [tilespmem:$0x0]  }
0x16d: {  	_ = 	snop  }
0x16e: {  	[tilespmem:s1], [sflag:$0x6] =	stream.linear.gather [hbm4b:s29+s19], $0x4000, $0x38;
	v63 =	vld [tilespmem:$0x0]  }
0x16f: {  	_ =	swait.ge [sflag:s24], $0x80  }
0x170: {  	[sflag:s24] =	ssyncset.done $0x0  }
0x171: {  	[sflag:s24] =	ssyncadd.s32 $0xFFFFFF80  }
0x172: {  	_ =	swait.ge [sflag:s25], $0x4000  }
0x173: {  	[sflag:s25] =	ssyncset.done $0x0  }
0x174: {  	[sflag:s25] =	ssyncadd.s32 $0xFFFFC000  }
0x175: {  	[spmem:s5] =	stream.indirect.scatter.add.f32 [tilespmem:s31], [sflag:$0x8], $0x80, s12, s17, $0xb8;
	v63 =	vld [tilespmem:$0x0]  }
0x176: {  	_ = 	snop  }
0x177: {  	[spmem:s6] =	stream.indirect.scatter.add.f32 [tilespmem:s22], [sflag:$0xB], $0x1, s12, s17, $0xb8;
	v63 =	vld [tilespmem:$0x0]  }
0x178: {  	_ =	swait.ge [sflag:s26], $0x4000  }
0x179: {  	[sflag:s26] =	ssyncset.done $0x0  }
0x17a: {  	[sflag:s26] =	ssyncadd.s32 $0xFFFFC000  }
0x17b: {  	_ =	swait.ge [sflag:s28], $0x80  }
0x17c: {  	s3 =	sld [smem:$0x7F0]  }
0x17d: {  	[sflag:s28] =	ssyncset.done $0x0  }
0x17e: {  	s20 =	sld [smem:$0x7F2];
	[sflag:s28] =	ssyncadd.s32 $0xFFFFFF80  }
0x17f: {  	[tilespmem:s10], [sflag:$0x1] =	stream.linear.gather [hbm4b:s3+s19], $0x80, $0x38;
	v63 =	vld [tilespmem:$0x0]  }
0x180: {  	_ = 	snop  }
0x181: {  	[tilespmem:s11], [sflag:$0x4] =	stream.linear.gather [hbm4b:s20+s19], $0x4000, $0x38;
	v63 =	vld [tilespmem:$0x0]  }
0x182: {  	_ =	swait.ge [sflag:s30], $0x80  }
0x183: {  	[sflag:s30] =	ssyncset.done $0x0  }
0x184: {  	[sflag:s30] =	ssyncadd.s32 $0xFFFFFF80  }
0x185: {  	_ =	swait.ge [sflag:s2], $0x4000  }
0x186: {  	[sflag:s2] =	ssyncset.done $0x0  }
0x187: {  	[sflag:s2] =	ssyncadd.s32 $0xFFFFC000  }
0x188: {  	[spmem:s5] =	stream.indirect.scatter.add.f32 [tilespmem:s1], [sflag:$0x9], $0x80, s23, s17, $0xb8;
	v63 =	vld [tilespmem:$0x0]  }
0x189: {  	_ = 	snop  }
0x18a: {  	[spmem:s6] =	stream.indirect.scatter.add.f32 [tilespmem:s22], [sflag:$0xC], $0x1, s23, s17, $0xb8;
	v63 =	vld [tilespmem:$0x0]  }
0x18b: {  	_ =	swait.ge [sflag:s8], $0x4000  }
0x18c: {  	[sflag:s8] =	ssyncset.done $0x0  }
0x18d: {  	[sflag:s8] =	ssyncadd.s32 $0xFFFFC000  }
0x18e: {  	_ =	swait.ge [sflag:s0], $0x80  }
0x18f: {  	s21 =	sld [smem:$0x7F4]  }
0x190: {  	[sflag:s0] =	ssyncset.done $0x0;
	s29 =	sld [smem:$0x7F6]  }
0x191: {  	s20 =	sld [smem:$0x7FB];
	[sflag:s0] =	ssyncadd.s32 $0xFFFFFF80  }
0x192: {  	[tilespmem:s12], [sflag:$0x2] =	stream.linear.gather [hbm4b:s21+s19], $0x80, $0x38;
	v63 =	vld [tilespmem:$0x0]  }
0x193: {  	s3 =	sld [smem:$0x7FC]  }
0x194: {  	[tilespmem:s31], [sflag:$0x5] =	stream.linear.gather [hbm4b:s29+s19], $0x4000, $0x38;
	v63 =	vld [tilespmem:$0x0]  }
.LBB2_7:
0x195: {  	_ =	swait.ge [sflag:s16], $0x80  }
0x196: {  	[sflag:s16] =	ssyncset.done $0x0  }
0x197: {  	[sflag:s16] =	ssyncadd.s32 $0xFFFFFF80  }
0x198: {  	_ =	swait.ge [sflag:s13], $0x4000  }
0x199: {  	[sflag:s13] =	ssyncset.done $0x0  }
0x19a: {  	[sflag:s13] =	ssyncadd.s32 $0xFFFFC000  }
0x19b: {  	[spmem:s5] =	stream.indirect.scatter.add.f32 [tilespmem:s11], [sflag:$0x7], $0x80, s10, s17, $0xb8;
	v63 =	vld [tilespmem:$0x0]  }
0x19c: {  	_ = 	snop  }
0x19d: {  	[spmem:s6] =	stream.indirect.scatter.add.f32 [tilespmem:s22], [sflag:$0xA], $0x1, s10, s17, $0xb8;
	v63 =	vld [tilespmem:$0x0]  }
0x19e: {  	_ =	swait.ge [sflag:s14], $0x4000  }
0x19f: {  	[sflag:s14] =	ssyncset.done $0x0  }
0x1a0: {  	[sflag:s14] =	ssyncadd.s32 $0xFFFFC000  }
0x1a1: {  	_ =	swait.ge [sflag:s15], $0x80  }
0x1a2: {  	[sflag:s15] =	ssyncset.done $0x0  }
0x1a3: {  	s21 =	sadd.s32 $0xFFFFFFE0, s20;
	[sflag:s15] =	ssyncadd.s32 $0xFFFFFF80  }
0x1a4: {  	[tilespmem:s23], [sflag:$0x3] =	stream.linear.gather [hbm4b:s21+s7], $0x80, $0x38;
	v63 =	vld [tilespmem:$0x0]  }
0x1a5: {  	s21 =	sadd.s32 s19, s3  }
0x1a6: {  	s29 =	sadd.s32 $0x2800, s21  }
0x1a7: {  	[tilespmem:s1], [sflag:$0x6] =	stream.linear.gather [hbm4b:s29+s7], $0x4000, $0x38;
	v63 =	vld [tilespmem:$0x0]  }
0x1a8: {  	_ =	swait.ge [sflag:s24], $0x80  }
0x1a9: {  	[sflag:s24] =	ssyncset.done $0x0  }
0x1aa: {  	[sflag:s24] =	ssyncadd.s32 $0xFFFFFF80  }
0x1ab: {  	p1 =	seq.s32 s19, $0x4B000;
	_ =	swait.ge [sflag:s25], $0x4000  }
.Ltmp5:
0x1ac: {  	[sflag:s25] =	ssyncset.done $0x0;
	(pc) =	sbr.rel @p1 .LBB2_8-.Ltmp5, $4  }
0x1ad: {  	[sflag:s25] =	ssyncadd.s32 $0xFFFFC000  }
0x1ae: {  	[spmem:s5] =	stream.indirect.scatter.add.f32 [tilespmem:s31], [sflag:$0x8], $0x80, s12, s17, $0xb8;
	v63 =	vld [tilespmem:$0x0]  }
0x1af: {  	_ = 	snop  }
0x1b0: {  	[spmem:s6] =	stream.indirect.scatter.add.f32 [tilespmem:s22], [sflag:$0xB], $0x1, s12, s17, $0xb8;
	v63 =	vld [tilespmem:$0x0]  }
0x1b1: {  	_ =	swait.ge [sflag:s26], $0x4000  }
0x1b2: {  	[sflag:s26] =	ssyncset.done $0x0  }
0x1b3: {  	[sflag:s26] =	ssyncadd.s32 $0xFFFFC000  }
0x1b4: {  	_ =	swait.ge [sflag:s28], $0x80  }
0x1b5: {  	[sflag:s28] =	ssyncset.done $0x0  }
0x1b6: {  	s29 =	sadd.s32 $0xFFFFFFF0, s20;
	[sflag:s28] =	ssyncadd.s32 $0xFFFFFF80  }
0x1b7: {  	[tilespmem:s10], [sflag:$0x1] =	stream.linear.gather [hbm4b:s29+s7], $0x80, $0x38;
	v63 =	vld [tilespmem:$0x0]  }
0x1b8: {  	s18 =	sadd.s32 $0x3000, s21  }
0x1b9: {  	[tilespmem:s11], [sflag:$0x4] =	stream.linear.gather [hbm4b:s18+s7], $0x4000, $0x38;
	v63 =	vld [tilespmem:$0x0]  }
0x1ba: {  	_ =	swait.ge [sflag:s30], $0x80  }
0x1bb: {  	[sflag:s30] =	ssyncset.done $0x0  }
0x1bc: {  	[sflag:s30] =	ssyncadd.s32 $0xFFFFFF80  }
0x1bd: {  	_ =	swait.ge [sflag:s2], $0x4000  }
0x1be: {  	[sflag:s2] =	ssyncset.done $0x0  }
0x1bf: {  	[sflag:s2] =	ssyncadd.s32 $0xFFFFC000  }
0x1c0: {  	[spmem:s5] =	stream.indirect.scatter.add.f32 [tilespmem:s1], [sflag:$0x9], $0x80, s23, s17, $0xb8;
	v63 =	vld [tilespmem:$0x0]  }
0x1c1: {  	_ = 	snop  }
0x1c2: {  	[spmem:s6] =	stream.indirect.scatter.add.f32 [tilespmem:s22], [sflag:$0xC], $0x1, s23, s17, $0xb8;
	v63 =	vld [tilespmem:$0x0]  }
0x1c3: {  	_ =	swait.ge [sflag:s8], $0x4000  }
0x1c4: {  	[sflag:s8] =	ssyncset.done $0x0  }
0x1c5: {  	[sflag:s8] =	ssyncadd.s32 $0xFFFFC000  }
0x1c6: {  	_ =	swait.ge [sflag:s0], $0x80  }
.Ltmp6:
0x1c7: {  	[sflag:s0] =	ssyncset.done $0x0;
	(pc) =	sbr.rel .LBB2_7-.Ltmp6, $4  }
0x1c8: {  	[sflag:s0] =	ssyncadd.s32 $0xFFFFFF80  }
0x1c9: {  	[tilespmem:s12], [sflag:$0x2] =	stream.linear.gather [hbm4b:s20+s7], $0x80, $0x38;
	v63 =	vld [tilespmem:$0x0]  }
0x1ca: {  	s19 =	sadd.s32 $0x1800, s19;
	s29 =	sadd.s32 $0x3800, s21;
	s20 =	sadd.s32 $0x30, s20  }
0x1cb: {  	[tilespmem:s31], [sflag:$0x5] =	stream.linear.gather [hbm4b:s29+s7], $0x4000, $0x38;
	v63 =	vld [tilespmem:$0x0]  }
.LBB2_4:
0x1cc: {  	s29 =	rddreg [dreg:$0x1]  }
.Ltmp7:
0x1cd: {  	s21 =	rddreg [dreg:$0x0];
	(pc) =	sbr.rel .LBB2_9-.Ltmp7, $4  }
0x1ce: {  	s20 =	rddreg [dreg:$0x9]  }
0x1cf: {  	s3 =	rddreg [dreg:$0xb]  }
0x1d0: {  	[smem:$0x7EC] =	sst s3  }
0x1d1: {  	s3 =	sld [smem:$0x7ED]  }
.LBB2_10:
0x1d2: {  	_ =	sfence.sel $0x180000  }
0x1d3: {  	[bflag:$0x0] =	sbarrier.arrive $0xFFFF  }
0x1d4: {  	_ =	strace $0x90000047  }
0x1d5: {  	s0 =	stileid.u32;
	[bflag:$0x2] =	sbarrier.arrive $0xFFFF  }
0x1d6: {  	p0 =	sne.s32 s0, $0x0;
	s0 =	rddreg [dreg:$0x8]  }
0x1d7: {  	s0 =	sadd.s32 @!p0 $0x100000, s0  }
0x1d8: {  	[sflag:s0] =	ssyncadd.tile.s32 @!p0 $0x1;
	_ =	shalt  }
.Lfunc_end2:
_tile_overlayer_lowered:
.L_overlay_start_2:
0x1d9: {  	(tag) =	ssettag $0x2  }
0x1da: {  	s0 =	rddreg [dreg:$0x0];
	s2 =	stileid.u32  }
0x1db: {  	s1 =	rddreg [dreg:$0x1];
	p0 =	sne.s32 s2, $0x0  }
0x1dc: {  	s3 =	rddreg [dreg:$0x2];
	[bflag:$0x3] =	sbarrier.arrive $0xFFFF;
	s2 =	simm.s32 @!p0 $0x1C0D  }
0x1dd: {  	[timem:s3], [sflag:s2] =	dma.local @!p0 [hbm:s0], s1  }
0x1de: {  	s0 =	simm.s32 @!p0 $0xD  }
0x1df: {  	_ =	swait.ge @!p0 [sflag:s0], s1  }
0x1e0: {  	s1 =	ssub.s32 @!p0 $0x0, s1;
	[sflag:s0] =	ssyncset.done @!p0 $0x0  }
0x1e1: {  	[sflag:s0] =	ssyncadd.s32 @!p0 s1  }
0x1e2: {  	[bflag:$0x3] =	sbarrier.arrive $0xFFFF  }
0x1e3: {  	_ =	shalt  }

</sc_bundles>
